<compile_context>
chip_gen: v7x
topology: tpu7x:2x2x1
jax: 0.10.2.dev20260603
libtpu: 0.0.44.dev20260713+nightly
codegen_flags: <defaults>
</compile_context>

<pallas_src>
import functools

import jax
import jax.numpy as jnp
from jax import lax
from jax.experimental import pallas as pl
from jax.experimental.pallas import tpu as pltpu
from jax.experimental.pallas import tpu_sc as plsc

B, S, N, SIZE = 32, 12, 2048, 64
BS = B * S
PAD = 128
ROWS_PER_WORKER = 16
NUM_WORKERS = BS // ROWS_PER_WORKER

_EPS = 1e-5
_INV = 1.0 / SIZE


def _project_body(nodeT_ref, wn_ref, timeT_ref, wt_ref, day_ref, wd_ref, b_ref,
                  w_ref, g_ref, beta_ref,
                  tp_ref, dp_ref, nehatT_ref, negamT_ref, p1_ref, p2_ref,
                  what_ref, wgamc_ref, betac_ref, a_ref):
    neT = lax.dot_general(wn_ref[...], nodeT_ref[...], (((0,), (0,)), ((), ())),
                          preferred_element_type=jnp.float32)
    nehatT = neT - jnp.mean(neT, axis=0, keepdims=True)
    nehatT_ref[...] = nehatT
    g = g_ref[...]
    g_col = g.reshape(SIZE, 1)
    negamT_ref[...] = nehatT * g_col
    w = w_ref[...]
    what = w - jnp.mean(w)
    what_ref[...] = what
    wgamc_ref[...] = (what * g).reshape(SIZE, 1)
    betac_ref[...] = beta_ref[...].reshape(SIZE, 1)
    a_ref[...] = jnp.mean(what * what).reshape(1, 1)
    p1_ref[...] = jnp.dot(what, nehatT,
                          preferred_element_type=jnp.float32) * _INV
    p2_ref[...] = jnp.dot(jnp.ones((1, SIZE), jnp.float32), nehatT * nehatT,
                          preferred_element_type=jnp.float32) * _INV
    tp = lax.dot_general(timeT_ref[...], wt_ref[...], (((0,), (0,)), ((), ())),
                         preferred_element_type=jnp.float32)
    tp_ref[...] = jnp.concatenate(
        [tp, jnp.zeros(tp.shape, jnp.float32)], axis=1)
    dp = jnp.dot(day_ref[...], wd_ref[...],
                 preferred_element_type=jnp.float32) + b_ref[...]
    dp8 = jnp.concatenate([dp, jnp.zeros((1, SIZE), jnp.float32)], axis=0)
    dp_ref[...] = jnp.concatenate(
        [dp8, jnp.zeros((8, SIZE), jnp.float32)], axis=1)


def _project_tables(nodeT, W_node, timeT, W_time, day_table, W_day,
                    b_row, w_row, g_row, beta_row):
    n_times = timeT.shape[1]
    return pl.pallas_call(
        _project_body,
        out_shape=(
            jax.ShapeDtypeStruct((n_times, PAD), jnp.float32),
            jax.ShapeDtypeStruct((8, PAD), jnp.float32),
            jax.ShapeDtypeStruct((SIZE, N), jnp.float32),
            jax.ShapeDtypeStruct((SIZE, N), jnp.float32),
            jax.ShapeDtypeStruct((1, N), jnp.float32),
            jax.ShapeDtypeStruct((1, N), jnp.float32),
            jax.ShapeDtypeStruct((1, SIZE), jnp.float32),
            jax.ShapeDtypeStruct((SIZE, 1), jnp.float32),
            jax.ShapeDtypeStruct((SIZE, 1), jnp.float32),
            jax.ShapeDtypeStruct((1, 1), jnp.float32),
        ),
    )(nodeT, W_node, timeT, W_time, day_table, W_day, b_row,
      w_row, g_row, beta_row)


@functools.lru_cache(maxsize=None)
def _build_gather_combine():
    @functools.partial(
        pl.kernel,
        out_type=jax.ShapeDtypeStruct((BS, PAD), jnp.float32),
        mesh=plsc.VectorSubcoreMesh(core_axis_name="c", subcore_axis_name="s"),
        scratch_types=[
            pltpu.VMEM((ROWS_PER_WORKER,), jnp.int32),
            pltpu.VMEM((ROWS_PER_WORKER,), jnp.int32),
            pltpu.VMEM((ROWS_PER_WORKER, PAD), jnp.float32),
            pltpu.VMEM((ROWS_PER_WORKER, PAD), jnp.float32),
            pltpu.SemaphoreType.DMA,
        ],
    )
    def _gather_combine(tidx_hbm, didx_hbm, tproj_hbm, dproj_hbm, out_hbm,
                        ti_v, di_v, tr_v, dr_v, sem):
        num_cores = 2
        wid = lax.axis_index("s") * num_cores + lax.axis_index("c")

        @pl.when(wid < NUM_WORKERS)
        def _():
            base = wid * ROWS_PER_WORKER
            pltpu.sync_copy(tidx_hbm.at[pl.ds(base, ROWS_PER_WORKER)], ti_v)
            pltpu.sync_copy(didx_hbm.at[pl.ds(base, ROWS_PER_WORKER)], di_v)
            c1 = pltpu.async_copy(tproj_hbm.at[ti_v], tr_v, sem)
            c2 = pltpu.async_copy(dproj_hbm.at[di_v], dr_v, sem)
            c1.wait()
            c2.wait()
            for r in range(ROWS_PER_WORKER):
                for c in range(SIZE // 16):
                    sl = pl.ds(c * 16, 16)
                    tr_v[r, sl] = tr_v[r, sl] + dr_v[r, sl]
            pltpu.sync_copy(tr_v, out_hbm.at[pl.ds(base, ROWS_PER_WORKER)])

    return _gather_combine


BLK_S = 6
BLK_B = 2


def _main_body(d_ref, comb_ref, nehatT_ref, negamT_ref, p1_ref, p2_ref,
               what_ref, wgamc_ref, betac_ref, a_ref, g_ref, o_ref):
    d = d_ref[:, :, 0, :].reshape(BLK_B * BLK_S, N)
    comb = comb_ref[:, :, 0, :SIZE].reshape(BLK_B * BLK_S, SIZE)
    chat = comb - jnp.mean(comb, axis=1, keepdims=True)
    wc = jnp.mean(chat * what_ref[...], axis=1, keepdims=True)
    cc = jnp.mean(chat * chat, axis=1, keepdims=True)
    q = jnp.dot(chat, nehatT_ref[...],
                preferred_element_type=jnp.float32) * _INV
    a = a_ref[0, 0]
    var = (a * d * d + (2.0 * p1_ref[...] + 2.0 * wc) * d
           + p2_ref[...] + 2.0 * q + cc)
    r = lax.rsqrt(var + _EPS)
    rd = r * d
    cgam = chat * g_ref[...]
    negamT = negamT_ref[...]
    wgamc = wgamc_ref[...]
    betac = betac_ref[...]
    ones_row = jnp.ones((1, N), jnp.float32)
    for b in range(BLK_B):
        for s in range(BLK_S):
            i = b * BLK_S + s
            cg_col = cgam[i].reshape(SIZE, 1)
            y3 = jnp.concatenate([wgamc, cg_col, betac], axis=1)
            x3 = jnp.concatenate([rd[i:i + 1], r[i:i + 1], ones_row],
                                 axis=0)
            tile = (jnp.dot(y3, x3, preferred_element_type=jnp.float32)
                    + r[i:i + 1, :] * negamT)
            o_ref[b, s] = tile


def _main_pass(data4, comb4, nehatT, negamT, p1, p2, what, wgamc, betac, aa,
               g_row):
    grid = (B // BLK_B, S // BLK_S)
    const = lambda i, j: (0, 0)
    return pl.pallas_call(
        _main_body,
        grid=grid,
        in_specs=[
            pl.BlockSpec((BLK_B, BLK_S, 1, N), lambda i, j: (i, j, 0, 0)),
            pl.BlockSpec((BLK_B, BLK_S, 1, PAD), lambda i, j: (i, j, 0, 0)),
            pl.BlockSpec((SIZE, N), const),
            pl.BlockSpec((SIZE, N), const),
            pl.BlockSpec((1, N), const),
            pl.BlockSpec((1, N), const),
            pl.BlockSpec((1, SIZE), const),
            pl.BlockSpec((SIZE, 1), const),
            pl.BlockSpec((SIZE, 1), const),
            pl.BlockSpec((1, 1), const),
            pl.BlockSpec((1, SIZE), const),
        ],
        out_specs=pl.BlockSpec((BLK_B, BLK_S, SIZE, N),
                               lambda i, j: (i, j, 0, 0)),
        out_shape=jax.ShapeDtypeStruct((B, S, SIZE, N), jnp.float32),
    )(data4, comb4, nehatT, negamT, p1, p2, what, wgamc, betac, aa, g_row)


def kernel(data, time, weekday, W_data, b_data, node_table, W_node,
           time_table, W_time, day_table, W_day, gamma, beta):
    data4 = data.reshape(B, S, 1, N)
    tidx = time.reshape(BS).astype(jnp.int32)
    didx = weekday.reshape(BS).astype(jnp.int32)
    g_row = gamma.reshape(1, SIZE)
    beta_row = beta.reshape(1, SIZE)

    (tp, dp, nehatT, negamT, p1, p2, what, wgamc, betac, aa) = _project_tables(
        jnp.transpose(node_table), W_node, jnp.transpose(time_table), W_time,
        day_table, W_day, b_data.reshape(1, SIZE),
        W_data.reshape(1, SIZE), g_row, beta_row)
    combined = _build_gather_combine()(tidx, didx, tp, dp)
    comb4 = combined.reshape(B, S, 1, PAD)
    outT = _main_pass(data4, comb4, nehatT, negamT, p1, p2, what, wgamc,
                      betac, aa, g_row)
    return jnp.transpose(outT, (0, 1, 3, 2))

# --- scband reference (transcript-rebuilt; emitter-appended) ---
"""Pipeline reference for scband-stembedding-49684181680180 (READ-ONLY COPY).

The authoritative reference and input builder live on the scoring server;
editing this copy changes nothing except your own understanding.
"""

import jax, jax.numpy as jnp
import numpy as np

B, S, N, SIZE = 32, 12, 2048, 64
NUM_TIMES, TIME_DIM = 288, 32
NUM_DAYS, DAY_DIM = 7, 8
NODE_DIM = 64


def layer_norm(x, gamma, beta, eps=1e-5):
    mean = jnp.mean(x, axis=-1, keepdims=True)
    var = jnp.mean((x - mean) ** 2, axis=-1, keepdims=True)
    return (x - mean) / jnp.sqrt(var + eps) * gamma + beta


def setup_inputs(seed: int = 0):
    key = jax.random.key(seed)
    ks = jax.random.split(key, 12)
    return {
        "data": jax.random.normal(ks[0], (B, S, N, 1), dtype=jnp.float32),
        "time": jax.random.randint(ks[1], (B, S), 0, NUM_TIMES, dtype=jnp.int64 if jax.config.jax_enable_x64 else jnp.int32),
        "weekday": jax.random.randint(ks[2], (B, S), 0, NUM_DAYS, dtype=jnp.int64 if jax.config.jax_enable_x64 else jnp.int32),
        "W_data": jax.random.normal(ks[3], (1, SIZE), dtype=jnp.float32) * 0.1,
        "b_data": jnp.zeros((SIZE,), dtype=jnp.float32),
        "node_table": jax.random.normal(ks[4], (N, NODE_DIM), dtype=jnp.float32) * 0.1,
        "W_node": jax.random.normal(ks[5], (NODE_DIM, SIZE), dtype=jnp.float32) * 0.1,
        "time_table": jax.random.normal(ks[6], (NUM_TIMES, TIME_DIM), dtype=jnp.float32) * 0.1,
        "W_time": jax.random.normal(ks[7], (TIME_DIM, SIZE), dtype=jnp.float32) * 0.1,
        "day_table": jax.random.normal(ks[8], (NUM_DAYS, DAY_DIM), dtype=jnp.float32) * 0.1,
        "W_day": jax.random.normal(ks[9], (DAY_DIM, SIZE), dtype=jnp.float32) * 0.1,
        "gamma": jnp.ones((SIZE,), dtype=jnp.float32),
        "beta": jnp.zeros((SIZE,), dtype=jnp.float32),
    }


def reference(data, time, weekday, W_data, b_data, node_table, W_node, time_table, W_time, day_table, W_day, gamma, beta):
    # linear_data: [B,S,N,1] @ [1,SIZE] + b -> [B,S,N,SIZE]
    out = jnp.matmul(data, W_data) + b_data
    # emb_node over arange(num_nodes): dropout is identity in eval mode
    node_emb = jnp.matmul(node_table, W_node)  # [N, SIZE]
    out = out + node_emb[None, None, :, :]
    # emb_time(time) -> [B,S,SIZE], unsqueeze(-2)
    time_emb = jnp.matmul(jnp.take(time_table, time, axis=0), W_time)
    out = out + time_emb[:, :, None, :]
    # emb_day(weekday) -> [B,S,SIZE], unsqueeze(-2)
    day_emb = jnp.matmul(jnp.take(day_table, weekday, axis=0), W_day)
    out = out + day_emb[:, :, None, :]
    return layer_norm(out, gamma, beta)

if __name__ == "__main__":
    import jax
    _d = setup_inputs()
    print(jax.jit(kernel)(*tuple(_d.values())))

</pallas_src>

<mosaic_0001>
#map = affine_map<(d0, d1) -> (0)>
#map1 = affine_map<(d0, d1) -> (0, 0)>
module attributes {stable_mosaic.version = 14 : i64} {
  func.func @_gather_combine(%arg0: i32, %arg1: i32, %arg2: memref<384xi32, #tpu.memory_space<hbm>>, %arg3: memref<384xi32, #tpu.memory_space<hbm>>, %arg4: memref<288x128xf32, #tpu.memory_space<hbm>>, %arg5: memref<8x128xf32, #tpu.memory_space<hbm>>, %arg6: memref<384x128xf32, #tpu.memory_space<hbm>>, %arg7: memref<16xi32, #tpu.memory_space<vmem>>, %arg8: memref<16xi32, #tpu.memory_space<vmem>>, %arg9: memref<16x128xf32, #tpu.memory_space<vmem>>, %arg10: memref<16x128xf32, #tpu.memory_space<vmem>>, %arg11: memref<!tpu.dma_semaphore, #tpu.memory_space<semaphore_mem>>) attributes {dimension_semantics = [#tpu.dimension_semantics<core_parallel>, #tpu.dimension_semantics<subcore_parallel>], iteration_bounds = array<i64: 2, 16>, scalar_prefetch = 0 : i64, scratch_operands = 5 : i64, tpu.core_type = #tpu.core_type<sc_vector_subcore>, window_params = [{transform_indices = #map}, {transform_indices = #map}, {transform_indices = #map1}, {transform_indices = #map1}, {transform_indices = #map1}]} {
    %mul3A = arith.constant 2 : i32
    %mul3A_0 = arith.muli %arg1, %mul3A : i32
    %add3A = arith.addi %mul3A_0, %arg0 : i32
    %lt3A = arith.constant 24 : i32
    %lt3A_1 = arith.cmpi slt, %add3A, %lt3A : i32
    %convert_element_type3A = arith.extui %lt3A_1 : i1 to i32
    %cond3A = arith.constant 0 : i32
    %cond3A_2 = arith.cmpi ne, %convert_element_type3A, %cond3A : i32
    scf.if %cond3A_2 {
      %mul3A_3 = arith.constant 16 : i32
      %mul3A_4 = arith.muli %add3A, %mul3A_3 : i32
      "tpu.region"() ({
        %run_scoped3A = tpu.sem_alloc : memref<!tpu.dma_semaphore, #tpu.memory_space<semaphore_mem>>
        %dma_start3A_1101 = tpu.memref_slice %arg2[%mul3A_4] : memref<384xi32, #tpu.memory_space<hbm>> -> memref<16xi32, #tpu.memory_space<hbm>>
        %dma_start3A_1102 = tpu.memref_slice %arg2[%mul3A_4] : memref<384xi32, #tpu.memory_space<hbm>> -> memref<16xi32, #tpu.memory_space<hbm>>
        tpu.enqueue_dma source(%dma_start3A_1102 : memref<16xi32, #tpu.memory_space<hbm>>) target(%arg7 : memref<16xi32, #tpu.memory_space<vmem>>) target_semaphore(%run_scoped3A : memref<!tpu.dma_semaphore, #tpu.memory_space<semaphore_mem>>)
        %dma_wait3A_1103 = tpu.memref_slice %arg2[%mul3A_4] : memref<384xi32, #tpu.memory_space<hbm>> -> memref<16xi32, #tpu.memory_space<hbm>>
        %dma_wait3A_1104 = tpu.memref_slice %arg2[%mul3A_4] : memref<384xi32, #tpu.memory_space<hbm>> -> memref<16xi32, #tpu.memory_space<hbm>>
        tpu.wait_dma2 semaphore(%run_scoped3A : memref<!tpu.dma_semaphore, #tpu.memory_space<semaphore_mem>>) src(%dma_wait3A_1104 : memref<16xi32, #tpu.memory_space<hbm>>) dst(%arg7 : memref<16xi32, #tpu.memory_space<vmem>>)
        tpu.yield
      }) : () -> ()
      "tpu.region"() ({
        %run_scoped3A = tpu.sem_alloc : memref<!tpu.dma_semaphore, #tpu.memory_space<semaphore_mem>>
        %dma_start3A_1101 = tpu.memref_slice %arg3[%mul3A_4] : memref<384xi32, #tpu.memory_space<hbm>> -> memref<16xi32, #tpu.memory_space<hbm>>
        %dma_start3A_1102 = tpu.memref_slice %arg3[%mul3A_4] : memref<384xi32, #tpu.memory_space<hbm>> -> memref<16xi32, #tpu.memory_space<hbm>>
        tpu.enqueue_dma source(%dma_start3A_1102 : memref<16xi32, #tpu.memory_space<hbm>>) target(%arg8 : memref<16xi32, #tpu.memory_space<vmem>>) target_semaphore(%run_scoped3A : memref<!tpu.dma_semaphore, #tpu.memory_space<semaphore_mem>>)
        %dma_wait3A_1103 = tpu.memref_slice %arg3[%mul3A_4] : memref<384xi32, #tpu.memory_space<hbm>> -> memref<16xi32, #tpu.memory_space<hbm>>
        %dma_wait3A_1104 = tpu.memref_slice %arg3[%mul3A_4] : memref<384xi32, #tpu.memory_space<hbm>> -> memref<16xi32, #tpu.memory_space<hbm>>
        tpu.wait_dma2 semaphore(%run_scoped3A : memref<!tpu.dma_semaphore, #tpu.memory_space<semaphore_mem>>) src(%dma_wait3A_1104 : memref<16xi32, #tpu.memory_space<hbm>>) dst(%arg8 : memref<16xi32, #tpu.memory_space<vmem>>)
        tpu.yield
      }) : () -> ()
      %dma_start3A = arith.constant 0 : i32
      %dma_start3A_5 = arith.constant 0 : i32
      %dma_start3A_6 = tpu.memref_slice %arg4[%dma_start3A, %dma_start3A_5] : memref<288x128xf32, #tpu.memory_space<hbm>> -> memref<288x128xf32, #tpu.memory_space<hbm>>
      tpu.enqueue_indirect_dma source(%dma_start3A_6 : memref<288x128xf32, #tpu.memory_space<hbm>>) target(%arg9 : memref<16x128xf32, #tpu.memory_space<vmem>>) offsets(%arg7 : memref<16xi32, #tpu.memory_space<vmem>>) semaphore(%arg11 : memref<!tpu.dma_semaphore, #tpu.memory_space<semaphore_mem>>)
      %dma_start3A_7 = arith.constant 0 : i32
      %dma_start3A_8 = arith.constant 0 : i32
      %dma_start3A_9 = tpu.memref_slice %arg5[%dma_start3A_7, %dma_start3A_8] : memref<8x128xf32, #tpu.memory_space<hbm>> -> memref<8x128xf32, #tpu.memory_space<hbm>>
      tpu.enqueue_indirect_dma source(%dma_start3A_9 : memref<8x128xf32, #tpu.memory_space<hbm>>) target(%arg10 : memref<16x128xf32, #tpu.memory_space<vmem>>) offsets(%arg8 : memref<16xi32, #tpu.memory_space<vmem>>) semaphore(%arg11 : memref<!tpu.dma_semaphore, #tpu.memory_space<semaphore_mem>>)
      %dma_wait3A = arith.constant 0 : i32
      %dma_wait3A_10 = arith.constant 0 : i32
      %dma_wait3A_11 = tpu.memref_slice %arg4[%dma_wait3A, %dma_wait3A_10] : memref<288x128xf32, #tpu.memory_space<hbm>> -> memref<288x128xf32, #tpu.memory_space<hbm>>
      tpu.wait_indirect_dma semaphore(%arg11 : memref<!tpu.dma_semaphore, #tpu.memory_space<semaphore_mem>>) src(%dma_wait3A_11 : memref<288x128xf32, #tpu.memory_space<hbm>>) dst(%arg9 : memref<16x128xf32, #tpu.memory_space<vmem>>)
      %dma_wait3A_12 = arith.constant 0 : i32
      %dma_wait3A_13 = arith.constant 0 : i32
      %dma_wait3A_14 = tpu.memref_slice %arg5[%dma_wait3A_12, %dma_wait3A_13] : memref<8x128xf32, #tpu.memory_space<hbm>> -> memref<8x128xf32, #tpu.memory_space<hbm>>
      tpu.wait_indirect_dma semaphore(%arg11 : memref<!tpu.dma_semaphore, #tpu.memory_space<semaphore_mem>>) src(%dma_wait3A_14 : memref<8x128xf32, #tpu.memory_space<hbm>>) dst(%arg10 : memref<16x128xf32, #tpu.memory_space<vmem>>)
      %get3A = arith.constant 0 : i32
      %get3A_15 = arith.index_cast %get3A : i32 to index
      %get3A_16 = arith.constant 0 : index
      %get3A_17 = tpu.vector_load %arg9[%get3A_15, %get3A_16] {strides = array<i32>} : memref<16x128xf32, #tpu.memory_space<vmem>>, vector<1x16xf32>,
      %get3A_18 = vector.shape_cast %get3A_17 : vector<1x16xf32> to vector<16xf32>
      %get3A_19 = arith.constant 0 : i32
      %get3A_20 = arith.index_cast %get3A_19 : i32 to index
      %get3A_21 = arith.constant 0 : index
      %get3A_22 = tpu.vector_load %arg10[%get3A_20, %get3A_21] {strides = array<i32>} : memref<16x128xf32, #tpu.memory_space<vmem>>, vector<1x16xf32>,
      %get3A_23 = vector.shape_cast %get3A_22 : vector<1x16xf32> to vector<16xf32>
      %add3A_24 = arith.addf %get3A_18, %get3A_23 : vector<16xf32>
      %swap3A = arith.constant 0 : i32
      %swap3A_25 = arith.index_cast %swap3A : i32 to index
      %swap3A_26 = arith.constant 0 : index
      %swap3A_27 = tpu.vector_load %arg9[%swap3A_25, %swap3A_26] {strides = array<i32>} : memref<16x128xf32, #tpu.memory_space<vmem>>, vector<1x16xf32>,
      %swap3A_28 = vector.shape_cast %swap3A_27 : vector<1x16xf32> to vector<16xf32>
      %swap3A_29 = vector.shape_cast %add3A_24 : vector<16xf32> to vector<1x16xf32>
      tpu.vector_store %arg9[%swap3A_25, %swap3A_26], %swap3A_29 {strides = array<i32>} : memref<16x128xf32, #tpu.memory_space<vmem>>, vector<1x16xf32>,
      %get3A_30 = arith.constant 0 : i32
      %get3A_31 = arith.index_cast %get3A_30 : i32 to index
      %get3A_32 = arith.constant 16 : index
      %get3A_33 = tpu.vector_load %arg9[%get3A_31, %get3A_32] {strides = array<i32>} : memref<16x128xf32, #tpu.memory_space<vmem>>, vector<1x16xf32>,
      %get3A_34 = vector.shape_cast %get3A_33 : vector<1x16xf32> to vector<16xf32>
      %get3A_35 = arith.constant 0 : i32
      %get3A_36 = arith.index_cast %get3A_35 : i32 to index
      %get3A_37 = arith.constant 16 : index
      %get3A_38 = tpu.vector_load %arg10[%get3A_36, %get3A_37] {strides = array<i32>} : memref<16x128xf32, #tpu.memory_space<vmem>>, vector<1x16xf32>,
      %get3A_39 = vector.shape_cast %get3A_38 : vector<1x16xf32> to vector<16xf32>
      %add3A_40 = arith.addf %get3A_34, %get3A_39 : vector<16xf32>
      %swap3A_41 = arith.constant 0 : i32
      %swap3A_42 = arith.index_cast %swap3A_41 : i32 to index
      %swap3A_43 = arith.constant 16 : index
      %swap3A_44 = tpu.vector_load %arg9[%swap3A_42, %swap3A_43] {strides = array<i32>} : memref<16x128xf32, #tpu.memory_space<vmem>>, vector<1x16xf32>,
      %swap3A_45 = vector.shape_cast %swap3A_44 : vector<1x16xf32> to vector<16xf32>
      %swap3A_46 = vector.shape_cast %add3A_40 : vector<16xf32> to vector<1x16xf32>
      tpu.vector_store %arg9[%swap3A_42, %swap3A_43], %swap3A_46 {strides = array<i32>} : memref<16x128xf32, #tpu.memory_space<vmem>>, vector<1x16xf32>,
      %get3A_47 = arith.constant 0 : i32
      %get3A_48 = arith.index_cast %get3A_47 : i32 to index
      %get3A_49 = arith.constant 32 : index
      %get3A_50 = tpu.vector_load %arg9[%get3A_48, %get3A_49] {strides = array<i32>} : memref<16x128xf32, #tpu.memory_space<vmem>>, vector<1x16xf32>,
      %get3A_51 = vector.shape_cast %get3A_50 : vector<1x16xf32> to vector<16xf32>
      %get3A_52 = arith.constant 0 : i32
      %get3A_53 = arith.index_cast %get3A_52 : i32 to index
      %get3A_54 = arith.constant 32 : index
      %get3A_55 = tpu.vector_load %arg10[%get3A_53, %get3A_54] {strides = array<i32>} : memref<16x128xf32, #tpu.memory_space<vmem>>, vector<1x16xf32>,
      %get3A_56 = vector.shape_cast %get3A_55 : vector<1x16xf32> to vector<16xf32>
      %add3A_57 = arith.addf %get3A_51, %get3A_56 : vector<16xf32>
      %swap3A_58 = arith.constant 0 : i32
      %swap3A_59 = arith.index_cast %swap3A_58 : i32 to index
      %swap3A_60 = arith.constant 32 : index
      %swap3A_61 = tpu.vector_load %arg9[%swap3A_59, %swap3A_60] {strides = array<i32>} : memref<16x128xf32, #tpu.memory_space<vmem>>, vector<1x16xf32>,
      %swap3A_62 = vector.shape_cast %swap3A_61 : vector<1x16xf32> to vector<16xf32>
      %swap3A_63 = vector.shape_cast %add3A_57 : vector<16xf32> to vector<1x16xf32>
      tpu.vector_store %arg9[%swap3A_59, %swap3A_60], %swap3A_63 {strides = array<i32>} : memref<16x128xf32, #tpu.memory_space<vmem>>, vector<1x16xf32>,
      %get3A_64 = arith.constant 0 : i32
      %get3A_65 = arith.index_cast %get3A_64 : i32 to index
      %get3A_66 = arith.constant 48 : index
      %get3A_67 = tpu.vector_load %arg9[%get3A_65, %get3A_66] {strides = array<i32>} : memref<16x128xf32, #tpu.memory_space<vmem>>, vector<1x16xf32>,
      %get3A_68 = vector.shape_cast %get3A_67 : vector<1x16xf32> to vector<16xf32>
      %get3A_69 = arith.constant 0 : i32
      %get3A_70 = arith.index_cast %get3A_69 : i32 to index
      %get3A_71 = arith.constant 48 : index
      %get3A_72 = tpu.vector_load %arg10[%get3A_70, %get3A_71] {strides = array<i32>} : memref<16x128xf32, #tpu.memory_space<vmem>>, vector<1x16xf32>,
      %get3A_73 = vector.shape_cast %get3A_72 : vector<1x16xf32> to vector<16xf32>
      %add3A_74 = arith.addf %get3A_68, %get3A_73 : vector<16xf32>
      %swap3A_75 = arith.constant 0 : i32
      %swap3A_76 = arith.index_cast %swap3A_75 : i32 to index
      %swap3A_77 = arith.constant 48 : index
      %swap3A_78 = tpu.vector_load %arg9[%swap3A_76, %swap3A_77] {strides = array<i32>} : memref<16x128xf32, #tpu.memory_space<vmem>>, vector<1x16xf32>,
      %swap3A_79 = vector.shape_cast %swap3A_78 : vector<1x16xf32> to vector<16xf32>
      %swap3A_80 = vector.shape_cast %add3A_74 : vector<16xf32> to vector<1x16xf32>
      tpu.vector_store %arg9[%swap3A_76, %swap3A_77], %swap3A_80 {strides = array<i32>} : memref<16x128xf32, #tpu.memory_space<vmem>>, vector<1x16xf32>,
      %get3A_81 = arith.constant 1 : i32
      %get3A_82 = arith.index_cast %get3A_81 : i32 to index
      %get3A_83 = arith.constant 0 : index
      %get3A_84 = tpu.vector_load %arg9[%get3A_82, %get3A_83] {strides = array<i32>} : memref<16x128xf32, #tpu.memory_space<vmem>>, vector<1x16xf32>,
      %get3A_85 = vector.shape_cast %get3A_84 : vector<1x16xf32> to vector<16xf32>
      %get3A_86 = arith.constant 1 : i32
      %get3A_87 = arith.index_cast %get3A_86 : i32 to index
      %get3A_88 = arith.constant 0 : index
      %get3A_89 = tpu.vector_load %arg10[%get3A_87, %get3A_88] {strides = array<i32>} : memref<16x128xf32, #tpu.memory_space<vmem>>, vector<1x16xf32>,
      %get3A_90 = vector.shape_cast %get3A_89 : vector<1x16xf32> to vector<16xf32>
      %add3A_91 = arith.addf %get3A_85, %get3A_90 : vector<16xf32>
      %swap3A_92 = arith.constant 1 : i32
      %swap3A_93 = arith.index_cast %swap3A_92 : i32 to index
      %swap3A_94 = arith.constant 0 : index
      %swap3A_95 = tpu.vector_load %arg9[%swap3A_93, %swap3A_94] {strides = array<i32>} : memref<16x128xf32, #tpu.memory_space<vmem>>, vector<1x16xf32>,
      %swap3A_96 = vector.shape_cast %swap3A_95 : vector<1x16xf32> to vector<16xf32>
      %swap3A_97 = vector.shape_cast %add3A_91 : vector<16xf32> to vector<1x16xf32>
      tpu.vector_store %arg9[%swap3A_93, %swap3A_94], %swap3A_97 {strides = array<i32>} : memref<16x128xf32, #tpu.memory_space<vmem>>, vector<1x16xf32>,
      %get3A_98 = arith.constant 1 : i32
      %get3A_99 = arith.index_cast %get3A_98 : i32 to index
      %get3A_100 = arith.constant 16 : index
      %get3A_101 = tpu.vector_load %arg9[%get3A_99, %get3A_100] {strides = array<i32>} : memref<16x128xf32, #tpu.memory_space<vmem>>, vector<1x16xf32>,
      %get3A_102 = vector.shape_cast %get3A_101 : vector<1x16xf32> to vector<16xf32>
      %get3A_103 = arith.constant 1 : i32
      %get3A_104 = arith.index_cast %get3A_103 : i32 to index
      %get3A_105 = arith.constant 16 : index
      %get3A_106 = tpu.vector_load %arg10[%get3A_104, %get3A_105] {strides = array<i32>} : memref<16x128xf32, #tpu.memory_space<vmem>>, vector<1x16xf32>,
      %get3A_107 = vector.shape_cast %get3A_106 : vector<1x16xf32> to vector<16xf32>
      %add3A_108 = arith.addf %get3A_102, %get3A_107 : vector<16xf32>
      %swap3A_109 = arith.constant 1 : i32
      %swap3A_110 = arith.index_cast %swap3A_109 : i32 to index
      %swap3A_111 = arith.constant 16 : index
      %swap3A_112 = tpu.vector_load %arg9[%swap3A_110, %swap3A_111] {strides = array<i32>} : memref<16x128xf32, #tpu.memory_space<vmem>>, vector<1x16xf32>,
      %swap3A_113 = vector.shape_cast %swap3A_112 : vector<1x16xf32> to vector<16xf32>
      %swap3A_114 = vector.shape_cast %add3A_108 : vector<16xf32> to vector<1x16xf32>
      tpu.vector_store %arg9[%swap3A_110, %swap3A_111], %swap3A_114 {strides = array<i32>} : memref<16x128xf32, #tpu.memory_space<vmem>>, vector<1x16xf32>,
      %get3A_115 = arith.constant 1 : i32
      %get3A_116 = arith.index_cast %get3A_115 : i32 to index
      %get3A_117 = arith.constant 32 : index
      %get3A_118 = tpu.vector_load %arg9[%get3A_116, %get3A_117] {strides = array<i32>} : memref<16x128xf32, #tpu.memory_space<vmem>>, vector<1x16xf32>,
      %get3A_119 = vector.shape_cast %get3A_118 : vector<1x16xf32> to vector<16xf32>
      %get3A_120 = arith.constant 1 : i32
      %get3A_121 = arith.index_cast %get3A_120 : i32 to index
      %get3A_122 = arith.constant 32 : index
      %get3A_123 = tpu.vector_load %arg10[%get3A_121, %get3A_122] {strides = array<i32>} : memref<16x128xf32, #tpu.memory_space<vmem>>, vector<1x16xf32>,
      %get3A_124 = vector.shape_cast %get3A_123 : vector<1x16xf32> to vector<16xf32>
      %add3A_125 = arith.addf %get3A_119, %get3A_124 : vector<16xf32>
      %swap3A_126 = arith.constant 1 : i32
      %swap3A_127 = arith.index_cast %swap3A_126 : i32 to index
      %swap3A_128 = arith.constant 32 : index
      %swap3A_129 = tpu.vector_load %arg9[%swap3A_127, %swap3A_128] {strides = array<i32>} : memref<16x128xf32, #tpu.memory_space<vmem>>, vector<1x16xf32>,
      %swap3A_130 = vector.shape_cast %swap3A_129 : vector<1x16xf32> to vector<16xf32>
      %swap3A_131 = vector.shape_cast %add3A_125 : vector<16xf32> to vector<1x16xf32>
      tpu.vector_store %arg9[%swap3A_127, %swap3A_128], %swap3A_131 {strides = array<i32>} : memref<16x128xf32, #tpu.memory_space<vmem>>, vector<1x16xf32>,
      %get3A_132 = arith.constant 1 : i32
      %get3A_133 = arith.index_cast %get3A_132 : i32 to index
      %get3A_134 = arith.constant 48 : index
      %get3A_135 = tpu.vector_load %arg9[%get3A_133, %get3A_134] {strides = array<i32>} : memref<16x128xf32, #tpu.memory_space<vmem>>, vector<1x16xf32>,
      %get3A_136 = vector.shape_cast %get3A_135 : vector<1x16xf32> to vector<16xf32>
      %get3A_137 = arith.constant 1 : i32
      %get3A_138 = arith.index_cast %get3A_137 : i32 to index
      %get3A_139 = arith.constant 48 : index
      %get3A_140 = tpu.vector_load %arg10[%get3A_138, %get3A_139] {strides = array<i32>} : memref<16x128xf32, #tpu.memory_space<vmem>>, vector<1x16xf32>,
      %get3A_141 = vector.shape_cast %get3A_140 : vector<1x16xf32> to vector<16xf32>
      %add3A_142 = arith.addf %get3A_136, %get3A_141 : vector<16xf32>
      %swap3A_143 = arith.constant 1 : i32
      %swap3A_144 = arith.index_cast %swap3A_143 : i32 to index
      %swap3A_145 = arith.constant 48 : index
      %swap3A_146 = tpu.vector_load %arg9[%swap3A_144, %swap3A_145] {strides = array<i32>} : memref<16x128xf32, #tpu.memory_space<vmem>>, vector<1x16xf32>,
      %swap3A_147 = vector.shape_cast %swap3A_146 : vector<1x16xf32> to vector<16xf32>
      %swap3A_148 = vector.shape_cast %add3A_142 : vector<16xf32> to vector<1x16xf32>
      tpu.vector_store %arg9[%swap3A_144, %swap3A_145], %swap3A_148 {strides = array<i32>} : memref<16x128xf32, #tpu.memory_space<vmem>>, vector<1x16xf32>,
      %get3A_149 = arith.constant 2 : i32
      %get3A_150 = arith.index_cast %get3A_149 : i32 to index
      %get3A_151 = arith.constant 0 : index
      %get3A_152 = tpu.vector_load %arg9[%get3A_150, %get3A_151] {strides = array<i32>} : memref<16x128xf32, #tpu.memory_space<vmem>>, vector<1x16xf32>,
      %get3A_153 = vector.shape_cast %get3A_152 : vector<1x16xf32> to vector<16xf32>
      %get3A_154 = arith.constant 2 : i32
      %get3A_155 = arith.index_cast %get3A_154 : i32 to index
      %get3A_156 = arith.constant 0 : index
      %get3A_157 = tpu.vector_load %arg10[%get3A_155, %get3A_156] {strides = array<i32>} : memref<16x128xf32, #tpu.memory_space<vmem>>, vector<1x16xf32>,
      %get3A_158 = vector.shape_cast %get3A_157 : vector<1x16xf32> to vector<16xf32>
      %add3A_159 = arith.addf %get3A_153, %get3A_158 : vector<16xf32>
      %swap3A_160 = arith.constant 2 : i32
      %swap3A_161 = arith.index_cast %swap3A_160 : i32 to index
      %swap3A_162 = arith.constant 0 : index
      %swap3A_163 = tpu.vector_load %arg9[%swap3A_161, %swap3A_162] {strides = array<i32>} : memref<16x128xf32, #tpu.memory_space<vmem>>, vector<1x16xf32>,
      %swap3A_164 = vector.shape_cast %swap3A_163 : vector<1x16xf32> to vector<16xf32>
      %swap3A_165 = vector.shape_cast %add3A_159 : vector<16xf32> to vector<1x16xf32>
      tpu.vector_store %arg9[%swap3A_161, %swap3A_162], %swap3A_165 {strides = array<i32>} : memref<16x128xf32, #tpu.memory_space<vmem>>, vector<1x16xf32>,
      %get3A_166 = arith.constant 2 : i32
      %get3A_167 = arith.index_cast %get3A_166 : i32 to index
      %get3A_168 = arith.constant 16 : index
      %get3A_169 = tpu.vector_load %arg9[%get3A_167, %get3A_168] {strides = array<i32>} : memref<16x128xf32, #tpu.memory_space<vmem>>, vector<1x16xf32>,
      %get3A_170 = vector.shape_cast %get3A_169 : vector<1x16xf32> to vector<16xf32>
      %get3A_171 = arith.constant 2 : i32
      %get3A_172 = arith.index_cast %get3A_171 : i32 to index
      %get3A_173 = arith.constant 16 : index
      %get3A_174 = tpu.vector_load %arg10[%get3A_172, %get3A_173] {strides = array<i32>} : memref<16x128xf32, #tpu.memory_space<vmem>>, vector<1x16xf32>,
      %get3A_175 = vector.shape_cast %get3A_174 : vector<1x16xf32> to vector<16xf32>
      %add3A_176 = arith.addf %get3A_170, %get3A_175 : vector<16xf32>
      %swap3A_177 = arith.constant 2 : i32
      %swap3A_178 = arith.index_cast %swap3A_177 : i32 to index
      %swap3A_179 = arith.constant 16 : index
      %swap3A_180 = tpu.vector_load %arg9[%swap3A_178, %swap3A_179] {strides = array<i32>} : memref<16x128xf32, #tpu.memory_space<vmem>>, vector<1x16xf32>,
      %swap3A_181 = vector.shape_cast %swap3A_180 : vector<1x16xf32> to vector<16xf32>
      %swap3A_182 = vector.shape_cast %add3A_176 : vector<16xf32> to vector<1x16xf32>
      tpu.vector_store %arg9[%swap3A_178, %swap3A_179], %swap3A_182 {strides = array<i32>} : memref<16x128xf32, #tpu.memory_space<vmem>>, vector<1x16xf32>,
      %get3A_183 = arith.constant 2 : i32
      %get3A_184 = arith.index_cast %get3A_183 : i32 to index
      %get3A_185 = arith.constant 32 : index
      %get3A_186 = tpu.vector_load %arg9[%get3A_184, %get3A_185] {strides = array<i32>} : memref<16x128xf32, #tpu.memory_space<vmem>>, vector<1x16xf32>,
      %get3A_187 = vector.shape_cast %get3A_186 : vector<1x16xf32> to vector<16xf32>
      %get3A_188 = arith.constant 2 : i32
      %get3A_189 = arith.index_cast %get3A_188 : i32 to index
      %get3A_190 = arith.constant 32 : index
      %get3A_191 = tpu.vector_load %arg10[%get3A_189, %get3A_190] {strides = array<i32>} : memref<16x128xf32, #tpu.memory_space<vmem>>, vector<1x16xf32>,
      %get3A_192 = vector.shape_cast %get3A_191 : vector<1x16xf32> to vector<16xf32>
      %add3A_193 = arith.addf %get3A_187, %get3A_192 : vector<16xf32>
      %swap3A_194 = arith.constant 2 : i32
      %swap3A_195 = arith.index_cast %swap3A_194 : i32 to index
      %swap3A_196 = arith.constant 32 : index
      %swap3A_197 = tpu.vector_load %arg9[%swap3A_195, %swap3A_196] {strides = array<i32>} : memref<16x128xf32, #tpu.memory_space<vmem>>, vector<1x16xf32>,
      %swap3A_198 = vector.shape_cast %swap3A_197 : vector<1x16xf32> to vector<16xf32>
      %swap3A_199 = vector.shape_cast %add3A_193 : vector<16xf32> to vector<1x16xf32>
      tpu.vector_store %arg9[%swap3A_195, %swap3A_196], %swap3A_199 {strides = array<i32>} : memref<16x128xf32, #tpu.memory_space<vmem>>, vector<1x16xf32>,
      %get3A_200 = arith.constant 2 : i32
      %get3A_201 = arith.index_cast %get3A_200 : i32 to index
      %get3A_202 = arith.constant 48 : index
      %get3A_203 = tpu.vector_load %arg9[%get3A_201, %get3A_202] {strides = array<i32>} : memref<16x128xf32, #tpu.memory_space<vmem>>, vector<1x16xf32>,
      %get3A_204 = vector.shape_cast %get3A_203 : vector<1x16xf32> to vector<16xf32>
      %get3A_205 = arith.constant 2 : i32
      %get3A_206 = arith.index_cast %get3A_205 : i32 to index
      %get3A_207 = arith.constant 48 : index
      %get3A_208 = tpu.vector_load %arg10[%get3A_206, %get3A_207] {strides = array<i32>} : memref<16x128xf32, #tpu.memory_space<vmem>>, vector<1x16xf32>,
      %get3A_209 = vector.shape_cast %get3A_208 : vector<1x16xf32> to vector<16xf32>
      %add3A_210 = arith.addf %get3A_204, %get3A_209 : vector<16xf32>
      %swap3A_211 = arith.constant 2 : i32
      %swap3A_212 = arith.index_cast %swap3A_211 : i32 to index
      %swap3A_213 = arith.constant 48 : index
      %swap3A_214 = tpu.vector_load %arg9[%swap3A_212, %swap3A_213] {strides = array<i32>} : memref<16x128xf32, #tpu.memory_space<vmem>>, vector<1x16xf32>,
      %swap3A_215 = vector.shape_cast %swap3A_214 : vector<1x16xf32> to vector<16xf32>
      %swap3A_216 = vector.shape_cast %add3A_210 : vector<16xf32> to vector<1x16xf32>
      tpu.vector_store %arg9[%swap3A_212, %swap3A_213], %swap3A_216 {strides = array<i32>} : memref<16x128xf32, #tpu.memory_space<vmem>>, vector<1x16xf32>,
      %get3A_217 = arith.constant 3 : i32
      %get3A_218 = arith.index_cast %get3A_217 : i32 to index
      %get3A_219 = arith.constant 0 : index
      %get3A_220 = tpu.vector_load %arg9[%get3A_218, %get3A_219] {strides = array<i32>} : memref<16x128xf32, #tpu.memory_space<vmem>>, vector<1x16xf32>,
      %get3A_221 = vector.shape_cast %get3A_220 : vector<1x16xf32> to vector<16xf32>
      %get3A_222 = arith.constant 3 : i32
      %get3A_223 = arith.index_cast %get3A_222 : i32 to index
      %get3A_224 = arith.constant 0 : index
      %get3A_225 = tpu.vector_load %arg10[%get3A_223, %get3A_224] {strides = array<i32>} : memref<16x128xf32, #tpu.memory_space<vmem>>, vector<1x16xf32>,
      %get3A_226 = vector.shape_cast %get3A_225 : vector<1x16xf32> to vector<16xf32>
      %add3A_227 = arith.addf %get3A_221, %get3A_226 : vector<16xf32>
      %swap3A_228 = arith.constant 3 : i32
      %swap3A_229 = arith.index_cast %swap3A_228 : i32 to index
      %swap3A_230 = arith.constant 0 : index
      %swap3A_231 = tpu.vector_load %arg9[%swap3A_229, %swap3A_230] {strides = array<i32>} : memref<16x128xf32, #tpu.memory_space<vmem>>, vector<1x16xf32>,
      %swap3A_232 = vector.shape_cast %swap3A_231 : vector<1x16xf32> to vector<16xf32>
      %swap3A_233 = vector.shape_cast %add3A_227 : vector<16xf32> to vector<1x16xf32>
      tpu.vector_store %arg9[%swap3A_229, %swap3A_230], %swap3A_233 {strides = array<i32>} : memref<16x128xf32, #tpu.memory_space<vmem>>, vector<1x16xf32>,
      %get3A_234 = arith.constant 3 : i32
      %get3A_235 = arith.index_cast %get3A_234 : i32 to index
      %get3A_236 = arith.constant 16 : index
      %get3A_237 = tpu.vector_load %arg9[%get3A_235, %get3A_236] {strides = array<i32>} : memref<16x128xf32, #tpu.memory_space<vmem>>, vector<1x16xf32>,
      %get3A_238 = vector.shape_cast %get3A_237 : vector<1x16xf32> to vector<16xf32>
      %get3A_239 = arith.constant 3 : i32
      %get3A_240 = arith.index_cast %get3A_239 : i32 to index
      %get3A_241 = arith.constant 16 : index
      %get3A_242 = tpu.vector_load %arg10[%get3A_240, %get3A_241] {strides = array<i32>} : memref<16x128xf32, #tpu.memory_space<vmem>>, vector<1x16xf32>,
      %get3A_243 = vector.shape_cast %get3A_242 : vector<1x16xf32> to vector<16xf32>
      %add3A_244 = arith.addf %get3A_238, %get3A_243 : vector<16xf32>
      %swap3A_245 = arith.constant 3 : i32
      %swap3A_246 = arith.index_cast %swap3A_245 : i32 to index
      %swap3A_247 = arith.constant 16 : index
      %swap3A_248 = tpu.vector_load %arg9[%swap3A_246, %swap3A_247] {strides = array<i32>} : memref<16x128xf32, #tpu.memory_space<vmem>>, vector<1x16xf32>,
      %swap3A_249 = vector.shape_cast %swap3A_248 : vector<1x16xf32> to vector<16xf32>
      %swap3A_250 = vector.shape_cast %add3A_244 : vector<16xf32> to vector<1x16xf32>
      tpu.vector_store %arg9[%swap3A_246, %swap3A_247], %swap3A_250 {strides = array<i32>} : memref<16x128xf32, #tpu.memory_space<vmem>>, vector<1x16xf32>,
      %get3A_251 = arith.constant 3 : i32
      %get3A_252 = arith.index_cast %get3A_251 : i32 to index
      %get3A_253 = arith.constant 32 : index
      %get3A_254 = tpu.vector_load %arg9[%get3A_252, %get3A_253] {strides = array<i32>} : memref<16x128xf32, #tpu.memory_space<vmem>>, vector<1x16xf32>,
      %get3A_255 = vector.shape_cast %get3A_254 : vector<1x16xf32> to vector<16xf32>
      %get3A_256 = arith.constant 3 : i32
      %get3A_257 = arith.index_cast %get3A_256 : i32 to index
      %get3A_258 = arith.constant 32 : index
      %get3A_259 = tpu.vector_load %arg10[%get3A_257, %get3A_258] {strides = array<i32>} : memref<16x128xf32, #tpu.memory_space<vmem>>, vector<1x16xf32>,
      %get3A_260 = vector.shape_cast %get3A_259 : vector<1x16xf32> to vector<16xf32>
      %add3A_261 = arith.addf %get3A_255, %get3A_260 : vector<16xf32>
      %swap3A_262 = arith.constant 3 : i32
      %swap3A_263 = arith.index_cast %swap3A_262 : i32 to index
      %swap3A_264 = arith.constant 32 : index
      %swap3A_265 = tpu.vector_load %arg9[%swap3A_263, %swap3A_264] {strides = array<i32>} : memref<16x128xf32, #tpu.memory_space<vmem>>, vector<1x16xf32>,
      %swap3A_266 = vector.shape_cast %swap3A_265 : vector<1x16xf32> to vector<16xf32>
      %swap3A_267 = vector.shape_cast %add3A_261 : vector<16xf32> to vector<1x16xf32>
      tpu.vector_store %arg9[%swap3A_263, %swap3A_264], %swap3A_267 {strides = array<i32>} : memref<16x128xf32, #tpu.memory_space<vmem>>, vector<1x16xf32>,
      %get3A_268 = arith.constant 3 : i32
      %get3A_269 = arith.index_cast %get3A_268 : i32 to index
      %get3A_270 = arith.constant 48 : index
      %get3A_271 = tpu.vector_load %arg9[%get3A_269, %get3A_270] {strides = array<i32>} : memref<16x128xf32, #tpu.memory_space<vmem>>, vector<1x16xf32>,
      %get3A_272 = vector.shape_cast %get3A_271 : vector<1x16xf32> to vector<16xf32>
      %get3A_273 = arith.constant 3 : i32
      %get3A_274 = arith.index_cast %get3A_273 : i32 to index
      %get3A_275 = arith.constant 48 : index
      %get3A_276 = tpu.vector_load %arg10[%get3A_274, %get3A_275] {strides = array<i32>} : memref<16x128xf32, #tpu.memory_space<vmem>>, vector<1x16xf32>,
      %get3A_277 = vector.shape_cast %get3A_276 : vector<1x16xf32> to vector<16xf32>
      %add3A_278 = arith.addf %get3A_272, %get3A_277 : vector<16xf32>
      %swap3A_279 = arith.constant 3 : i32
      %swap3A_280 = arith.index_cast %swap3A_279 : i32 to index
      %swap3A_281 = arith.constant 48 : index
      %swap3A_282 = tpu.vector_load %arg9[%swap3A_280, %swap3A_281] {strides = array<i32>} : memref<16x128xf32, #tpu.memory_space<vmem>>, vector<1x16xf32>,
      %swap3A_283 = vector.shape_cast %swap3A_282 : vector<1x16xf32> to vector<16xf32>
      %swap3A_284 = vector.shape_cast %add3A_278 : vector<16xf32> to vector<1x16xf32>
      tpu.vector_store %arg9[%swap3A_280, %swap3A_281], %swap3A_284 {strides = array<i32>} : memref<16x128xf32, #tpu.memory_space<vmem>>, vector<1x16xf32>,
      %get3A_285 = arith.constant 4 : i32
      %get3A_286 = arith.index_cast %get3A_285 : i32 to index
      %get3A_287 = arith.constant 0 : index
      %get3A_288 = tpu.vector_load %arg9[%get3A_286, %get3A_287] {strides = array<i32>} : memref<16x128xf32, #tpu.memory_space<vmem>>, vector<1x16xf32>,
      %get3A_289 = vector.shape_cast %get3A_288 : vector<1x16xf32> to vector<16xf32>
      %get3A_290 = arith.constant 4 : i32
      %get3A_291 = arith.index_cast %get3A_290 : i32 to index
      %get3A_292 = arith.constant 0 : index
      %get3A_293 = tpu.vector_load %arg10[%get3A_291, %get3A_292] {strides = array<i32>} : memref<16x128xf32, #tpu.memory_space<vmem>>, vector<1x16xf32>,
      %get3A_294 = vector.shape_cast %get3A_293 : vector<1x16xf32> to vector<16xf32>
      %add3A_295 = arith.addf %get3A_289, %get3A_294 : vector<16xf32>
      %swap3A_296 = arith.constant 4 : i32
      %swap3A_297 = arith.index_cast %swap3A_296 : i32 to index
      %swap3A_298 = arith.constant 0 : index
      %swap3A_299 = tpu.vector_load %arg9[%swap3A_297, %swap3A_298] {strides = array<i32>} : memref<16x128xf32, #tpu.memory_space<vmem>>, vector<1x16xf32>,
      %swap3A_300 = vector.shape_cast %swap3A_299 : vector<1x16xf32> to vector<16xf32>
      %swap3A_301 = vector.shape_cast %add3A_295 : vector<16xf32> to vector<1x16xf32>
      tpu.vector_store %arg9[%swap3A_297, %swap3A_298], %swap3A_301 {strides = array<i32>} : memref<16x128xf32, #tpu.memory_space<vmem>>, vector<1x16xf32>,
      %get3A_302 = arith.constant 4 : i32
      %get3A_303 = arith.index_cast %get3A_302 : i32 to index
      %get3A_304 = arith.constant 16 : index
      %get3A_305 = tpu.vector_load %arg9[%get3A_303, %get3A_304] {strides = array<i32>} : memref<16x128xf32, #tpu.memory_space<vmem>>, vector<1x16xf32>,
      %get3A_306 = vector.shape_cast %get3A_305 : vector<1x16xf32> to vector<16xf32>
      %get3A_307 = arith.constant 4 : i32
      %get3A_308 = arith.index_cast %get3A_307 : i32 to index
      %get3A_309 = arith.constant 16 : index
      %get3A_310 = tpu.vector_load %arg10[%get3A_308, %get3A_309] {strides = array<i32>} : memref<16x128xf32, #tpu.memory_space<vmem>>, vector<1x16xf32>,
      %get3A_311 = vector.shape_cast %get3A_310 : vector<1x16xf32> to vector<16xf32>
      %add3A_312 = arith.addf %get3A_306, %get3A_311 : vector<16xf32>
      %swap3A_313 = arith.constant 4 : i32
      %swap3A_314 = arith.index_cast %swap3A_313 : i32 to index
      %swap3A_315 = arith.constant 16 : index
      %swap3A_316 = tpu.vector_load %arg9[%swap3A_314, %swap3A_315] {strides = array<i32>} : memref<16x128xf32, #tpu.memory_space<vmem>>, vector<1x16xf32>,
      %swap3A_317 = vector.shape_cast %swap3A_316 : vector<1x16xf32> to vector<16xf32>
      %swap3A_318 = vector.shape_cast %add3A_312 : vector<16xf32> to vector<1x16xf32>
      tpu.vector_store %arg9[%swap3A_314, %swap3A_315], %swap3A_318 {strides = array<i32>} : memref<16x128xf32, #tpu.memory_space<vmem>>, vector<1x16xf32>,
      %get3A_319 = arith.constant 4 : i32
      %get3A_320 = arith.index_cast %get3A_319 : i32 to index
      %get3A_321 = arith.constant 32 : index
      %get3A_322 = tpu.vector_load %arg9[%get3A_320, %get3A_321] {strides = array<i32>} : memref<16x128xf32, #tpu.memory_space<vmem>>, vector<1x16xf32>,
      %get3A_323 = vector.shape_cast %get3A_322 : vector<1x16xf32> to vector<16xf32>
      %get3A_324 = arith.constant 4 : i32
      %get3A_325 = arith.index_cast %get3A_324 : i32 to index
      %get3A_326 = arith.constant 32 : index
      %get3A_327 = tpu.vector_load %arg10[%get3A_325, %get3A_326] {strides = array<i32>} : memref<16x128xf32, #tpu.memory_space<vmem>>, vector<1x16xf32>,
      %get3A_328 = vector.shape_cast %get3A_327 : vector<1x16xf32> to vector<16xf32>
      %add3A_329 = arith.addf %get3A_323, %get3A_328 : vector<16xf32>
      %swap3A_330 = arith.constant 4 : i32
      %swap3A_331 = arith.index_cast %swap3A_330 : i32 to index
      %swap3A_332 = arith.constant 32 : index
      %swap3A_333 = tpu.vector_load %arg9[%swap3A_331, %swap3A_332] {strides = array<i32>} : memref<16x128xf32, #tpu.memory_space<vmem>>, vector<1x16xf32>,
      %swap3A_334 = vector.shape_cast %swap3A_333 : vector<1x16xf32> to vector<16xf32>
      %swap3A_335 = vector.shape_cast %add3A_329 : vector<16xf32> to vector<1x16xf32>
      tpu.vector_store %arg9[%swap3A_331, %swap3A_332], %swap3A_335 {strides = array<i32>} : memref<16x128xf32, #tpu.memory_space<vmem>>, vector<1x16xf32>,
      %get3A_336 = arith.constant 4 : i32
      %get3A_337 = arith.index_cast %get3A_336 : i32 to index
      %get3A_338 = arith.constant 48 : index
      %get3A_339 = tpu.vector_load %arg9[%get3A_337, %get3A_338] {strides = array<i32>} : memref<16x128xf32, #tpu.memory_space<vmem>>, vector<1x16xf32>,
      %get3A_340 = vector.shape_cast %get3A_339 : vector<1x16xf32> to vector<16xf32>
      %get3A_341 = arith.constant 4 : i32
      %get3A_342 = arith.index_cast %get3A_341 : i32 to index
      %get3A_343 = arith.constant 48 : index
      %get3A_344 = tpu.vector_load %arg10[%get3A_342, %get3A_343] {strides = array<i32>} : memref<16x128xf32, #tpu.memory_space<vmem>>, vector<1x16xf32>,
      %get3A_345 = vector.shape_cast %get3A_344 : vector<1x16xf32> to vector<16xf32>
      %add3A_346 = arith.addf %get3A_340, %get3A_345 : vector<16xf32>
      %swap3A_347 = arith.constant 4 : i32
      %swap3A_348 = arith.index_cast %swap3A_347 : i32 to index
      %swap3A_349 = arith.constant 48 : index
      %swap3A_350 = tpu.vector_load %arg9[%swap3A_348, %swap3A_349] {strides = array<i32>} : memref<16x128xf32, #tpu.memory_space<vmem>>, vector<1x16xf32>,
      %swap3A_351 = vector.shape_cast %swap3A_350 : vector<1x16xf32> to vector<16xf32>
      %swap3A_352 = vector.shape_cast %add3A_346 : vector<16xf32> to vector<1x16xf32>
      tpu.vector_store %arg9[%swap3A_348, %swap3A_349], %swap3A_352 {strides = array<i32>} : memref<16x128xf32, #tpu.memory_space<vmem>>, vector<1x16xf32>,
      %get3A_353 = arith.constant 5 : i32
      %get3A_354 = arith.index_cast %get3A_353 : i32 to index
      %get3A_355 = arith.constant 0 : index
      %get3A_356 = tpu.vector_load %arg9[%get3A_354, %get3A_355] {strides = array<i32>} : memref<16x128xf32, #tpu.memory_space<vmem>>, vector<1x16xf32>,
      %get3A_357 = vector.shape_cast %get3A_356 : vector<1x16xf32> to vector<16xf32>
      %get3A_358 = arith.constant 5 : i32
      %get3A_359 = arith.index_cast %get3A_358 : i32 to index
      %get3A_360 = arith.constant 0 : index
      %get3A_361 = tpu.vector_load %arg10[%get3A_359, %get3A_360] {strides = array<i32>} : memref<16x128xf32, #tpu.memory_space<vmem>>, vector<1x16xf32>,
      %get3A_362 = vector.shape_cast %get3A_361 : vector<1x16xf32> to vector<16xf32>
      %add3A_363 = arith.addf %get3A_357, %get3A_362 : vector<16xf32>
      %swap3A_364 = arith.constant 5 : i32
      %swap3A_365 = arith.index_cast %swap3A_364 : i32 to index
      %swap3A_366 = arith.constant 0 : index
      %swap3A_367 = tpu.vector_load %arg9[%swap3A_365, %swap3A_366] {strides = array<i32>} : memref<16x128xf32, #tpu.memory_space<vmem>>, vector<1x16xf32>,
      %swap3A_368 = vector.shape_cast %swap3A_367 : vector<1x16xf32> to vector<16xf32>
      %swap3A_369 = vector.shape_cast %add3A_363 : vector<16xf32> to vector<1x16xf32>
      tpu.vector_store %arg9[%swap3A_365, %swap3A_366], %swap3A_369 {strides = array<i32>} : memref<16x128xf32, #tpu.memory_space<vmem>>, vector<1x16xf32>,
      %get3A_370 = arith.constant 5 : i32
      %get3A_371 = arith.index_cast %get3A_370 : i32 to index
      %get3A_372 = arith.constant 16 : index
      %get3A_373 = tpu.vector_load %arg9[%get3A_371, %get3A_372] {strides = array<i32>} : memref<16x128xf32, #tpu.memory_space<vmem>>, vector<1x16xf32>,
      %get3A_374 = vector.shape_cast %get3A_373 : vector<1x16xf32> to vector<16xf32>
      %get3A_375 = arith.constant 5 : i32
      %get3A_376 = arith.index_cast %get3A_375 : i32 to index
      %get3A_377 = arith.constant 16 : index
      %get3A_378 = tpu.vector_load %arg10[%get3A_376, %get3A_377] {strides = array<i32>} : memref<16x128xf32, #tpu.memory_space<vmem>>, vector<1x16xf32>,
      %get3A_379 = vector.shape_cast %get3A_378 : vector<1x16xf32> to vector<16xf32>
      %add3A_380 = arith.addf %get3A_374, %get3A_379 : vector<16xf32>
      %swap3A_381 = arith.constant 5 : i32
      %swap3A_382 = arith.index_cast %swap3A_381 : i32 to index
      %swap3A_383 = arith.constant 16 : index
      %swap3A_384 = tpu.vector_load %arg9[%swap3A_382, %swap3A_383] {strides = array<i32>} : memref<16x128xf32, #tpu.memory_space<vmem>>, vector<1x16xf32>,
      %swap3A_385 = vector.shape_cast %swap3A_384 : vector<1x16xf32> to vector<16xf32>
      %swap3A_386 = vector.shape_cast %add3A_380 : vector<16xf32> to vector<1x16xf32>
      tpu.vector_store %arg9[%swap3A_382, %swap3A_383], %swap3A_386 {strides = array<i32>} : memref<16x128xf32, #tpu.memory_space<vmem>>, vector<1x16xf32>,
      %get3A_387 = arith.constant 5 : i32
      %get3A_388 = arith.index_cast %get3A_387 : i32 to index
      %get3A_389 = arith.constant 32 : index
      %get3A_390 = tpu.vector_load %arg9[%get3A_388, %get3A_389] {strides = array<i32>} : memref<16x128xf32, #tpu.memory_space<vmem>>, vector<1x16xf32>,
      %get3A_391 = vector.shape_cast %get3A_390 : vector<1x16xf32> to vector<16xf32>
      %get3A_392 = arith.constant 5 : i32
      %get3A_393 = arith.index_cast %get3A_392 : i32 to index
      %get3A_394 = arith.constant 32 : index
      %get3A_395 = tpu.vector_load %arg10[%get3A_393, %get3A_394] {strides = array<i32>} : memref<16x128xf32, #tpu.memory_space<vmem>>, vector<1x16xf32>,
      %get3A_396 = vector.shape_cast %get3A_395 : vector<1x16xf32> to vector<16xf32>
      %add3A_397 = arith.addf %get3A_391, %get3A_396 : vector<16xf32>
      %swap3A_398 = arith.constant 5 : i32
      %swap3A_399 = arith.index_cast %swap3A_398 : i32 to index
      %swap3A_400 = arith.constant 32 : index
      %swap3A_401 = tpu.vector_load %arg9[%swap3A_399, %swap3A_400] {strides = array<i32>} : memref<16x128xf32, #tpu.memory_space<vmem>>, vector<1x16xf32>,
      %swap3A_402 = vector.shape_cast %swap3A_401 : vector<1x16xf32> to vector<16xf32>
      %swap3A_403 = vector.shape_cast %add3A_397 : vector<16xf32> to vector<1x16xf32>
      tpu.vector_store %arg9[%swap3A_399, %swap3A_400], %swap3A_403 {strides = array<i32>} : memref<16x128xf32, #tpu.memory_space<vmem>>, vector<1x16xf32>,
      %get3A_404 = arith.constant 5 : i32
      %get3A_405 = arith.index_cast %get3A_404 : i32 to index
      %get3A_406 = arith.constant 48 : index
      %get3A_407 = tpu.vector_load %arg9[%get3A_405, %get3A_406] {strides = array<i32>} : memref<16x128xf32, #tpu.memory_space<vmem>>, vector<1x16xf32>,
      %get3A_408 = vector.shape_cast %get3A_407 : vector<1x16xf32> to vector<16xf32>
      %get3A_409 = arith.constant 5 : i32
      %get3A_410 = arith.index_cast %get3A_409 : i32 to index
      %get3A_411 = arith.constant 48 : index
      %get3A_412 = tpu.vector_load %arg10[%get3A_410, %get3A_411] {strides = array<i32>} : memref<16x128xf32, #tpu.memory_space<vmem>>, vector<1x16xf32>,
      %get3A_413 = vector.shape_cast %get3A_412 : vector<1x16xf32> to vector<16xf32>
      %add3A_414 = arith.addf %get3A_408, %get3A_413 : vector<16xf32>
      %swap3A_415 = arith.constant 5 : i32
      %swap3A_416 = arith.index_cast %swap3A_415 : i32 to index
      %swap3A_417 = arith.constant 48 : index
      %swap3A_418 = tpu.vector_load %arg9[%swap3A_416, %swap3A_417] {strides = array<i32>} : memref<16x128xf32, #tpu.memory_space<vmem>>, vector<1x16xf32>,
      %swap3A_419 = vector.shape_cast %swap3A_418 : vector<1x16xf32> to vector<16xf32>
      %swap3A_420 = vector.shape_cast %add3A_414 : vector<16xf32> to vector<1x16xf32>
      tpu.vector_store %arg9[%swap3A_416, %swap3A_417], %swap3A_420 {strides = array<i32>} : memref<16x128xf32, #tpu.memory_space<vmem>>, vector<1x16xf32>,
      %get3A_421 = arith.constant 6 : i32
      %get3A_422 = arith.index_cast %get3A_421 : i32 to index
      %get3A_423 = arith.constant 0 : index
      %get3A_424 = tpu.vector_load %arg9[%get3A_422, %get3A_423] {strides = array<i32>} : memref<16x128xf32, #tpu.memory_space<vmem>>, vector<1x16xf32>,
      %get3A_425 = vector.shape_cast %get3A_424 : vector<1x16xf32> to vector<16xf32>
      %get3A_426 = arith.constant 6 : i32
      %get3A_427 = arith.index_cast %get3A_426 : i32 to index
      %get3A_428 = arith.constant 0 : index
      %get3A_429 = tpu.vector_load %arg10[%get3A_427, %get3A_428] {strides = array<i32>} : memref<16x128xf32, #tpu.memory_space<vmem>>, vector<1x16xf32>,
      %get3A_430 = vector.shape_cast %get3A_429 : vector<1x16xf32> to vector<16xf32>
      %add3A_431 = arith.addf %get3A_425, %get3A_430 : vector<16xf32>
      %swap3A_432 = arith.constant 6 : i32
      %swap3A_433 = arith.index_cast %swap3A_432 : i32 to index
      %swap3A_434 = arith.constant 0 : index
      %swap3A_435 = tpu.vector_load %arg9[%swap3A_433, %swap3A_434] {strides = array<i32>} : memref<16x128xf32, #tpu.memory_space<vmem>>, vector<1x16xf32>,
      %swap3A_436 = vector.shape_cast %swap3A_435 : vector<1x16xf32> to vector<16xf32>
      %swap3A_437 = vector.shape_cast %add3A_431 : vector<16xf32> to vector<1x16xf32>
      tpu.vector_store %arg9[%swap3A_433, %swap3A_434], %swap3A_437 {strides = array<i32>} : memref<16x128xf32, #tpu.memory_space<vmem>>, vector<1x16xf32>,
      %get3A_438 = arith.constant 6 : i32
      %get3A_439 = arith.index_cast %get3A_438 : i32 to index
      %get3A_440 = arith.constant 16 : index
      %get3A_441 = tpu.vector_load %arg9[%get3A_439, %get3A_440] {strides = array<i32>} : memref<16x128xf32, #tpu.memory_space<vmem>>, vector<1x16xf32>,
      %get3A_442 = vector.shape_cast %get3A_441 : vector<1x16xf32> to vector<16xf32>
      %get3A_443 = arith.constant 6 : i32
      %get3A_444 = arith.index_cast %get3A_443 : i32 to index
      %get3A_445 = arith.constant 16 : index
      %get3A_446 = tpu.vector_load %arg10[%get3A_444, %get3A_445] {strides = array<i32>} : memref<16x128xf32, #tpu.memory_space<vmem>>, vector<1x16xf32>,
      %get3A_447 = vector.shape_cast %get3A_446 : vector<1x16xf32> to vector<16xf32>
      %add3A_448 = arith.addf %get3A_442, %get3A_447 : vector<16xf32>
      %swap3A_449 = arith.constant 6 : i32
      %swap3A_450 = arith.index_cast %swap3A_449 : i32 to index
      %swap3A_451 = arith.constant 16 : index
      %swap3A_452 = tpu.vector_load %arg9[%swap3A_450, %swap3A_451] {strides = array<i32>} : memref<16x128xf32, #tpu.memory_space<vmem>>, vector<1x16xf32>,
      %swap3A_453 = vector.shape_cast %swap3A_452 : vector<1x16xf32> to vector<16xf32>
      %swap3A_454 = vector.shape_cast %add3A_448 : vector<16xf32> to vector<1x16xf32>
      tpu.vector_store %arg9[%swap3A_450, %swap3A_451], %swap3A_454 {strides = array<i32>} : memref<16x128xf32, #tpu.memory_space<vmem>>, vector<1x16xf32>,
      %get3A_455 = arith.constant 6 : i32
      %get3A_456 = arith.index_cast %get3A_455 : i32 to index
      %get3A_457 = arith.constant 32 : index
      %get3A_458 = tpu.vector_load %arg9[%get3A_456, %get3A_457] {strides = array<i32>} : memref<16x128xf32, #tpu.memory_space<vmem>>, vector<1x16xf32>,
      %get3A_459 = vector.shape_cast %get3A_458 : vector<1x16xf32> to vector<16xf32>
      %get3A_460 = arith.constant 6 : i32
      %get3A_461 = arith.index_cast %get3A_460 : i32 to index
      %get3A_462 = arith.constant 32 : index
      %get3A_463 = tpu.vector_load %arg10[%get3A_461, %get3A_462] {strides = array<i32>} : memref<16x128xf32, #tpu.memory_space<vmem>>, vector<1x16xf32>,
      %get3A_464 = vector.shape_cast %get3A_463 : vector<1x16xf32> to vector<16xf32>
      %add3A_465 = arith.addf %get3A_459, %get3A_464 : vector<16xf32>
      %swap3A_466 = arith.constant 6 : i32
      %swap3A_467 = arith.index_cast %swap3A_466 : i32 to index
      %swap3A_468 = arith.constant 32 : index
      %swap3A_469 = tpu.vector_load %arg9[%swap3A_467, %swap3A_468] {strides = array<i32>} : memref<16x128xf32, #tpu.memory_space<vmem>>, vector<1x16xf32>,
      %swap3A_470 = vector.shape_cast %swap3A_469 : vector<1x16xf32> to vector<16xf32>
      %swap3A_471 = vector.shape_cast %add3A_465 : vector<16xf32> to vector<1x16xf32>
      tpu.vector_store %arg9[%swap3A_467, %swap3A_468], %swap3A_471 {strides = array<i32>} : memref<16x128xf32, #tpu.memory_space<vmem>>, vector<1x16xf32>,
      %get3A_472 = arith.constant 6 : i32
      %get3A_473 = arith.index_cast %get3A_472 : i32 to index
      %get3A_474 = arith.constant 48 : index
      %get3A_475 = tpu.vector_load %arg9[%get3A_473, %get3A_474] {strides = array<i32>} : memref<16x128xf32, #tpu.memory_space<vmem>>, vector<1x16xf32>,
      %get3A_476 = vector.shape_cast %get3A_475 : vector<1x16xf32> to vector<16xf32>
      %get3A_477 = arith.constant 6 : i32
      %get3A_478 = arith.index_cast %get3A_477 : i32 to index
      %get3A_479 = arith.constant 48 : index
      %get3A_480 = tpu.vector_load %arg10[%get3A_478, %get3A_479] {strides = array<i32>} : memref<16x128xf32, #tpu.memory_space<vmem>>, vector<1x16xf32>,
      %get3A_481 = vector.shape_cast %get3A_480 : vector<1x16xf32> to vector<16xf32>
      %add3A_482 = arith.addf %get3A_476, %get3A_481 : vector<16xf32>
      %swap3A_483 = arith.constant 6 : i32
      %swap3A_484 = arith.index_cast %swap3A_483 : i32 to index
      %swap3A_485 = arith.constant 48 : index
      %swap3A_486 = tpu.vector_load %arg9[%swap3A_484, %swap3A_485] {strides = array<i32>} : memref<16x128xf32, #tpu.memory_space<vmem>>, vector<1x16xf32>,
      %swap3A_487 = vector.shape_cast %swap3A_486 : vector<1x16xf32> to vector<16xf32>
      %swap3A_488 = vector.shape_cast %add3A_482 : vector<16xf32> to vector<1x16xf32>
      tpu.vector_store %arg9[%swap3A_484, %swap3A_485], %swap3A_488 {strides = array<i32>} : memref<16x128xf32, #tpu.memory_space<vmem>>, vector<1x16xf32>,
      %get3A_489 = arith.constant 7 : i32
      %get3A_490 = arith.index_cast %get3A_489 : i32 to index
      %get3A_491 = arith.constant 0 : index
      %get3A_492 = tpu.vector_load %arg9[%get3A_490, %get3A_491] {strides = array<i32>} : memref<16x128xf32, #tpu.memory_space<vmem>>, vector<1x16xf32>,
      %get3A_493 = vector.shape_cast %get3A_492 : vector<1x16xf32> to vector<16xf32>
      %get3A_494 = arith.constant 7 : i32
      %get3A_495 = arith.index_cast %get3A_494 : i32 to index
      %get3A_496 = arith.constant 0 : index
      %get3A_497 = tpu.vector_load %arg10[%get3A_495, %get3A_496] {strides = array<i32>} : memref<16x128xf32, #tpu.memory_space<vmem>>, vector<1x16xf32>,
      %get3A_498 = vector.shape_cast %get3A_497 : vector<1x16xf32> to vector<16xf32>
      %add3A_499 = arith.addf %get3A_493, %get3A_498 : vector<16xf32>
      %swap3A_500 = arith.constant 7 : i32
      %swap3A_501 = arith.index_cast %swap3A_500 : i32 to index
      %swap3A_502 = arith.constant 0 : index
      %swap3A_503 = tpu.vector_load %arg9[%swap3A_501, %swap3A_502] {strides = array<i32>} : memref<16x128xf32, #tpu.memory_space<vmem>>, vector<1x16xf32>,
      %swap3A_504 = vector.shape_cast %swap3A_503 : vector<1x16xf32> to vector<16xf32>
      %swap3A_505 = vector.shape_cast %add3A_499 : vector<16xf32> to vector<1x16xf32>
      tpu.vector_store %arg9[%swap3A_501, %swap3A_502], %swap3A_505 {strides = array<i32>} : memref<16x128xf32, #tpu.memory_space<vmem>>, vector<1x16xf32>,
      %get3A_506 = arith.constant 7 : i32
      %get3A_507 = arith.index_cast %get3A_506 : i32 to index
      %get3A_508 = arith.constant 16 : index
      %get3A_509 = tpu.vector_load %arg9[%get3A_507, %get3A_508] {strides = array<i32>} : memref<16x128xf32, #tpu.memory_space<vmem>>, vector<1x16xf32>,
      %get3A_510 = vector.shape_cast %get3A_509 : vector<1x16xf32> to vector<16xf32>
      %get3A_511 = arith.constant 7 : i32
      %get3A_512 = arith.index_cast %get3A_511 : i32 to index
      %get3A_513 = arith.constant 16 : index
      %get3A_514 = tpu.vector_load %arg10[%get3A_512, %get3A_513] {strides = array<i32>} : memref<16x128xf32, #tpu.memory_space<vmem>>, vector<1x16xf32>,
      %get3A_515 = vector.shape_cast %get3A_514 : vector<1x16xf32> to vector<16xf32>
      %add3A_516 = arith.addf %get3A_510, %get3A_515 : vector<16xf32>
      %swap3A_517 = arith.constant 7 : i32
      %swap3A_518 = arith.index_cast %swap3A_517 : i32 to index
      %swap3A_519 = arith.constant 16 : index
      %swap3A_520 = tpu.vector_load %arg9[%swap3A_518, %swap3A_519] {strides = array<i32>} : memref<16x128xf32, #tpu.memory_space<vmem>>, vector<1x16xf32>,
      %swap3A_521 = vector.shape_cast %swap3A_520 : vector<1x16xf32> to vector<16xf32>
      %swap3A_522 = vector.shape_cast %add3A_516 : vector<16xf32> to vector<1x16xf32>
      tpu.vector_store %arg9[%swap3A_518, %swap3A_519], %swap3A_522 {strides = array<i32>} : memref<16x128xf32, #tpu.memory_space<vmem>>, vector<1x16xf32>,
      %get3A_523 = arith.constant 7 : i32
      %get3A_524 = arith.index_cast %get3A_523 : i32 to index
      %get3A_525 = arith.constant 32 : index
      %get3A_526 = tpu.vector_load %arg9[%get3A_524, %get3A_525] {strides = array<i32>} : memref<16x128xf32, #tpu.memory_space<vmem>>, vector<1x16xf32>,
      %get3A_527 = vector.shape_cast %get3A_526 : vector<1x16xf32> to vector<16xf32>
      %get3A_528 = arith.constant 7 : i32
      %get3A_529 = arith.index_cast %get3A_528 : i32 to index
      %get3A_530 = arith.constant 32 : index
      %get3A_531 = tpu.vector_load %arg10[%get3A_529, %get3A_530] {strides = array<i32>} : memref<16x128xf32, #tpu.memory_space<vmem>>, vector<1x16xf32>,
      %get3A_532 = vector.shape_cast %get3A_531 : vector<1x16xf32> to vector<16xf32>
      %add3A_533 = arith.addf %get3A_527, %get3A_532 : vector<16xf32>
      %swap3A_534 = arith.constant 7 : i32
      %swap3A_535 = arith.index_cast %swap3A_534 : i32 to index
      %swap3A_536 = arith.constant 32 : index
      %swap3A_537 = tpu.vector_load %arg9[%swap3A_535, %swap3A_536] {strides = array<i32>} : memref<16x128xf32, #tpu.memory_space<vmem>>, vector<1x16xf32>,
      %swap3A_538 = vector.shape_cast %swap3A_537 : vector<1x16xf32> to vector<16xf32>
      %swap3A_539 = vector.shape_cast %add3A_533 : vector<16xf32> to vector<1x16xf32>
      tpu.vector_store %arg9[%swap3A_535, %swap3A_536], %swap3A_539 {strides = array<i32>} : memref<16x128xf32, #tpu.memory_space<vmem>>, vector<1x16xf32>,
      %get3A_540 = arith.constant 7 : i32
      %get3A_541 = arith.index_cast %get3A_540 : i32 to index
      %get3A_542 = arith.constant 48 : index
      %get3A_543 = tpu.vector_load %arg9[%get3A_541, %get3A_542] {strides = array<i32>} : memref<16x128xf32, #tpu.memory_space<vmem>>, vector<1x16xf32>,
      %get3A_544 = vector.shape_cast %get3A_543 : vector<1x16xf32> to vector<16xf32>
      %get3A_545 = arith.constant 7 : i32
      %get3A_546 = arith.index_cast %get3A_545 : i32 to index
      %get3A_547 = arith.constant 48 : index
      %get3A_548 = tpu.vector_load %arg10[%get3A_546, %get3A_547] {strides = array<i32>} : memref<16x128xf32, #tpu.memory_space<vmem>>, vector<1x16xf32>,
      %get3A_549 = vector.shape_cast %get3A_548 : vector<1x16xf32> to vector<16xf32>
      %add3A_550 = arith.addf %get3A_544, %get3A_549 : vector<16xf32>
      %swap3A_551 = arith.constant 7 : i32
      %swap3A_552 = arith.index_cast %swap3A_551 : i32 to index
      %swap3A_553 = arith.constant 48 : index
      %swap3A_554 = tpu.vector_load %arg9[%swap3A_552, %swap3A_553] {strides = array<i32>} : memref<16x128xf32, #tpu.memory_space<vmem>>, vector<1x16xf32>,
      %swap3A_555 = vector.shape_cast %swap3A_554 : vector<1x16xf32> to vector<16xf32>
      %swap3A_556 = vector.shape_cast %add3A_550 : vector<16xf32> to vector<1x16xf32>
      tpu.vector_store %arg9[%swap3A_552, %swap3A_553], %swap3A_556 {strides = array<i32>} : memref<16x128xf32, #tpu.memory_space<vmem>>, vector<1x16xf32>,
      %get3A_557 = arith.constant 8 : i32
      %get3A_558 = arith.index_cast %get3A_557 : i32 to index
      %get3A_559 = arith.constant 0 : index
      %get3A_560 = tpu.vector_load %arg9[%get3A_558, %get3A_559] {strides = array<i32>} : memref<16x128xf32, #tpu.memory_space<vmem>>, vector<1x16xf32>,
      %get3A_561 = vector.shape_cast %get3A_560 : vector<1x16xf32> to vector<16xf32>
      %get3A_562 = arith.constant 8 : i32
      %get3A_563 = arith.index_cast %get3A_562 : i32 to index
      %get3A_564 = arith.constant 0 : index
      %get3A_565 = tpu.vector_load %arg10[%get3A_563, %get3A_564] {strides = array<i32>} : memref<16x128xf32, #tpu.memory_space<vmem>>, vector<1x16xf32>,
      %get3A_566 = vector.shape_cast %get3A_565 : vector<1x16xf32> to vector<16xf32>
      %add3A_567 = arith.addf %get3A_561, %get3A_566 : vector<16xf32>
      %swap3A_568 = arith.constant 8 : i32
      %swap3A_569 = arith.index_cast %swap3A_568 : i32 to index
      %swap3A_570 = arith.constant 0 : index
      %swap3A_571 = tpu.vector_load %arg9[%swap3A_569, %swap3A_570] {strides = array<i32>} : memref<16x128xf32, #tpu.memory_space<vmem>>, vector<1x16xf32>,
      %swap3A_572 = vector.shape_cast %swap3A_571 : vector<1x16xf32> to vector<16xf32>
      %swap3A_573 = vector.shape_cast %add3A_567 : vector<16xf32> to vector<1x16xf32>
      tpu.vector_store %arg9[%swap3A_569, %swap3A_570], %swap3A_573 {strides = array<i32>} : memref<16x128xf32, #tpu.memory_space<vmem>>, vector<1x16xf32>,
      %get3A_574 = arith.constant 8 : i32
      %get3A_575 = arith.index_cast %get3A_574 : i32 to index
      %get3A_576 = arith.constant 16 : index
      %get3A_577 = tpu.vector_load %arg9[%get3A_575, %get3A_576] {strides = array<i32>} : memref<16x128xf32, #tpu.memory_space<vmem>>, vector<1x16xf32>,
      %get3A_578 = vector.shape_cast %get3A_577 : vector<1x16xf32> to vector<16xf32>
      %get3A_579 = arith.constant 8 : i32
      %get3A_580 = arith.index_cast %get3A_579 : i32 to index
      %get3A_581 = arith.constant 16 : index
      %get3A_582 = tpu.vector_load %arg10[%get3A_580, %get3A_581] {strides = array<i32>} : memref<16x128xf32, #tpu.memory_space<vmem>>, vector<1x16xf32>,
      %get3A_583 = vector.shape_cast %get3A_582 : vector<1x16xf32> to vector<16xf32>
      %add3A_584 = arith.addf %get3A_578, %get3A_583 : vector<16xf32>
      %swap3A_585 = arith.constant 8 : i32
      %swap3A_586 = arith.index_cast %swap3A_585 : i32 to index
      %swap3A_587 = arith.constant 16 : index
      %swap3A_588 = tpu.vector_load %arg9[%swap3A_586, %swap3A_587] {strides = array<i32>} : memref<16x128xf32, #tpu.memory_space<vmem>>, vector<1x16xf32>,
      %swap3A_589 = vector.shape_cast %swap3A_588 : vector<1x16xf32> to vector<16xf32>
      %swap3A_590 = vector.shape_cast %add3A_584 : vector<16xf32> to vector<1x16xf32>
      tpu.vector_store %arg9[%swap3A_586, %swap3A_587], %swap3A_590 {strides = array<i32>} : memref<16x128xf32, #tpu.memory_space<vmem>>, vector<1x16xf32>,
      %get3A_591 = arith.constant 8 : i32
      %get3A_592 = arith.index_cast %get3A_591 : i32 to index
      %get3A_593 = arith.constant 32 : index
      %get3A_594 = tpu.vector_load %arg9[%get3A_592, %get3A_593] {strides = array<i32>} : memref<16x128xf32, #tpu.memory_space<vmem>>, vector<1x16xf32>,
      %get3A_595 = vector.shape_cast %get3A_594 : vector<1x16xf32> to vector<16xf32>
      %get3A_596 = arith.constant 8 : i32
      %get3A_597 = arith.index_cast %get3A_596 : i32 to index
      %get3A_598 = arith.constant 32 : index
      %get3A_599 = tpu.vector_load %arg10[%get3A_597, %get3A_598] {strides = array<i32>} : memref<16x128xf32, #tpu.memory_space<vmem>>, vector<1x16xf32>,
      %get3A_600 = vector.shape_cast %get3A_599 : vector<1x16xf32> to vector<16xf32>
      %add3A_601 = arith.addf %get3A_595, %get3A_600 : vector<16xf32>
      %swap3A_602 = arith.constant 8 : i32
      %swap3A_603 = arith.index_cast %swap3A_602 : i32 to index
      %swap3A_604 = arith.constant 32 : index
      %swap3A_605 = tpu.vector_load %arg9[%swap3A_603, %swap3A_604] {strides = array<i32>} : memref<16x128xf32, #tpu.memory_space<vmem>>, vector<1x16xf32>,
      %swap3A_606 = vector.shape_cast %swap3A_605 : vector<1x16xf32> to vector<16xf32>
      %swap3A_607 = vector.shape_cast %add3A_601 : vector<16xf32> to vector<1x16xf32>
      tpu.vector_store %arg9[%swap3A_603, %swap3A_604], %swap3A_607 {strides = array<i32>} : memref<16x128xf32, #tpu.memory_space<vmem>>, vector<1x16xf32>,
      %get3A_608 = arith.constant 8 : i32
      %get3A_609 = arith.index_cast %get3A_608 : i32 to index
      %get3A_610 = arith.constant 48 : index
      %get3A_611 = tpu.vector_load %arg9[%get3A_609, %get3A_610] {strides = array<i32>} : memref<16x128xf32, #tpu.memory_space<vmem>>, vector<1x16xf32>,
      %get3A_612 = vector.shape_cast %get3A_611 : vector<1x16xf32> to vector<16xf32>
      %get3A_613 = arith.constant 8 : i32
      %get3A_614 = arith.index_cast %get3A_613 : i32 to index
      %get3A_615 = arith.constant 48 : index
      %get3A_616 = tpu.vector_load %arg10[%get3A_614, %get3A_615] {strides = array<i32>} : memref<16x128xf32, #tpu.memory_space<vmem>>, vector<1x16xf32>,
      %get3A_617 = vector.shape_cast %get3A_616 : vector<1x16xf32> to vector<16xf32>
      %add3A_618 = arith.addf %get3A_612, %get3A_617 : vector<16xf32>
      %swap3A_619 = arith.constant 8 : i32
      %swap3A_620 = arith.index_cast %swap3A_619 : i32 to index
      %swap3A_621 = arith.constant 48 : index
      %swap3A_622 = tpu.vector_load %arg9[%swap3A_620, %swap3A_621] {strides = array<i32>} : memref<16x128xf32, #tpu.memory_space<vmem>>, vector<1x16xf32>,
      %swap3A_623 = vector.shape_cast %swap3A_622 : vector<1x16xf32> to vector<16xf32>
      %swap3A_624 = vector.shape_cast %add3A_618 : vector<16xf32> to vector<1x16xf32>
      tpu.vector_store %arg9[%swap3A_620, %swap3A_621], %swap3A_624 {strides = array<i32>} : memref<16x128xf32, #tpu.memory_space<vmem>>, vector<1x16xf32>,
      %get3A_625 = arith.constant 9 : i32
      %get3A_626 = arith.index_cast %get3A_625 : i32 to index
      %get3A_627 = arith.constant 0 : index
      %get3A_628 = tpu.vector_load %arg9[%get3A_626, %get3A_627] {strides = array<i32>} : memref<16x128xf32, #tpu.memory_space<vmem>>, vector<1x16xf32>,
      %get3A_629 = vector.shape_cast %get3A_628 : vector<1x16xf32> to vector<16xf32>
      %get3A_630 = arith.constant 9 : i32
      %get3A_631 = arith.index_cast %get3A_630 : i32 to index
      %get3A_632 = arith.constant 0 : index
      %get3A_633 = tpu.vector_load %arg10[%get3A_631, %get3A_632] {strides = array<i32>} : memref<16x128xf32, #tpu.memory_space<vmem>>, vector<1x16xf32>,
      %get3A_634 = vector.shape_cast %get3A_633 : vector<1x16xf32> to vector<16xf32>
      %add3A_635 = arith.addf %get3A_629, %get3A_634 : vector<16xf32>
      %swap3A_636 = arith.constant 9 : i32
      %swap3A_637 = arith.index_cast %swap3A_636 : i32 to index
      %swap3A_638 = arith.constant 0 : index
      %swap3A_639 = tpu.vector_load %arg9[%swap3A_637, %swap3A_638] {strides = array<i32>} : memref<16x128xf32, #tpu.memory_space<vmem>>, vector<1x16xf32>,
      %swap3A_640 = vector.shape_cast %swap3A_639 : vector<1x16xf32> to vector<16xf32>
      %swap3A_641 = vector.shape_cast %add3A_635 : vector<16xf32> to vector<1x16xf32>
      tpu.vector_store %arg9[%swap3A_637, %swap3A_638], %swap3A_641 {strides = array<i32>} : memref<16x128xf32, #tpu.memory_space<vmem>>, vector<1x16xf32>,
      %get3A_642 = arith.constant 9 : i32
      %get3A_643 = arith.index_cast %get3A_642 : i32 to index
      %get3A_644 = arith.constant 16 : index
      %get3A_645 = tpu.vector_load %arg9[%get3A_643, %get3A_644] {strides = array<i32>} : memref<16x128xf32, #tpu.memory_space<vmem>>, vector<1x16xf32>,
      %get3A_646 = vector.shape_cast %get3A_645 : vector<1x16xf32> to vector<16xf32>
      %get3A_647 = arith.constant 9 : i32
      %get3A_648 = arith.index_cast %get3A_647 : i32 to index
      %get3A_649 = arith.constant 16 : index
      %get3A_650 = tpu.vector_load %arg10[%get3A_648, %get3A_649] {strides = array<i32>} : memref<16x128xf32, #tpu.memory_space<vmem>>, vector<1x16xf32>,
      %get3A_651 = vector.shape_cast %get3A_650 : vector<1x16xf32> to vector<16xf32>
      %add3A_652 = arith.addf %get3A_646, %get3A_651 : vector<16xf32>
      %swap3A_653 = arith.constant 9 : i32
      %swap3A_654 = arith.index_cast %swap3A_653 : i32 to index
      %swap3A_655 = arith.constant 16 : index
      %swap3A_656 = tpu.vector_load %arg9[%swap3A_654, %swap3A_655] {strides = array<i32>} : memref<16x128xf32, #tpu.memory_space<vmem>>, vector<1x16xf32>,
      %swap3A_657 = vector.shape_cast %swap3A_656 : vector<1x16xf32> to vector<16xf32>
      %swap3A_658 = vector.shape_cast %add3A_652 : vector<16xf32> to vector<1x16xf32>
      tpu.vector_store %arg9[%swap3A_654, %swap3A_655], %swap3A_658 {strides = array<i32>} : memref<16x128xf32, #tpu.memory_space<vmem>>, vector<1x16xf32>,
      %get3A_659 = arith.constant 9 : i32
      %get3A_660 = arith.index_cast %get3A_659 : i32 to index
      %get3A_661 = arith.constant 32 : index
      %get3A_662 = tpu.vector_load %arg9[%get3A_660, %get3A_661] {strides = array<i32>} : memref<16x128xf32, #tpu.memory_space<vmem>>, vector<1x16xf32>,
      %get3A_663 = vector.shape_cast %get3A_662 : vector<1x16xf32> to vector<16xf32>
      %get3A_664 = arith.constant 9 : i32
      %get3A_665 = arith.index_cast %get3A_664 : i32 to index
      %get3A_666 = arith.constant 32 : index
      %get3A_667 = tpu.vector_load %arg10[%get3A_665, %get3A_666] {strides = array<i32>} : memref<16x128xf32, #tpu.memory_space<vmem>>, vector<1x16xf32>,
      %get3A_668 = vector.shape_cast %get3A_667 : vector<1x16xf32> to vector<16xf32>
      %add3A_669 = arith.addf %get3A_663, %get3A_668 : vector<16xf32>
      %swap3A_670 = arith.constant 9 : i32
      %swap3A_671 = arith.index_cast %swap3A_670 : i32 to index
      %swap3A_672 = arith.constant 32 : index
      %swap3A_673 = tpu.vector_load %arg9[%swap3A_671, %swap3A_672] {strides = array<i32>} : memref<16x128xf32, #tpu.memory_space<vmem>>, vector<1x16xf32>,
      %swap3A_674 = vector.shape_cast %swap3A_673 : vector<1x16xf32> to vector<16xf32>
      %swap3A_675 = vector.shape_cast %add3A_669 : vector<16xf32> to vector<1x16xf32>
      tpu.vector_store %arg9[%swap3A_671, %swap3A_672], %swap3A_675 {strides = array<i32>} : memref<16x128xf32, #tpu.memory_space<vmem>>, vector<1x16xf32>,
      %get3A_676 = arith.constant 9 : i32
      %get3A_677 = arith.index_cast %get3A_676 : i32 to index
      %get3A_678 = arith.constant 48 : index
      %get3A_679 = tpu.vector_load %arg9[%get3A_677, %get3A_678] {strides = array<i32>} : memref<16x128xf32, #tpu.memory_space<vmem>>, vector<1x16xf32>,
      %get3A_680 = vector.shape_cast %get3A_679 : vector<1x16xf32> to vector<16xf32>
      %get3A_681 = arith.constant 9 : i32
      %get3A_682 = arith.index_cast %get3A_681 : i32 to index
      %get3A_683 = arith.constant 48 : index
      %get3A_684 = tpu.vector_load %arg10[%get3A_682, %get3A_683] {strides = array<i32>} : memref<16x128xf32, #tpu.memory_space<vmem>>, vector<1x16xf32>,
      %get3A_685 = vector.shape_cast %get3A_684 : vector<1x16xf32> to vector<16xf32>
      %add3A_686 = arith.addf %get3A_680, %get3A_685 : vector<16xf32>
      %swap3A_687 = arith.constant 9 : i32
      %swap3A_688 = arith.index_cast %swap3A_687 : i32 to index
      %swap3A_689 = arith.constant 48 : index
      %swap3A_690 = tpu.vector_load %arg9[%swap3A_688, %swap3A_689] {strides = array<i32>} : memref<16x128xf32, #tpu.memory_space<vmem>>, vector<1x16xf32>,
      %swap3A_691 = vector.shape_cast %swap3A_690 : vector<1x16xf32> to vector<16xf32>
      %swap3A_692 = vector.shape_cast %add3A_686 : vector<16xf32> to vector<1x16xf32>
      tpu.vector_store %arg9[%swap3A_688, %swap3A_689], %swap3A_692 {strides = array<i32>} : memref<16x128xf32, #tpu.memory_space<vmem>>, vector<1x16xf32>,
      %get3A_693 = arith.constant 10 : i32
      %get3A_694 = arith.index_cast %get3A_693 : i32 to index
      %get3A_695 = arith.constant 0 : index
      %get3A_696 = tpu.vector_load %arg9[%get3A_694, %get3A_695] {strides = array<i32>} : memref<16x128xf32, #tpu.memory_space<vmem>>, vector<1x16xf32>,
      %get3A_697 = vector.shape_cast %get3A_696 : vector<1x16xf32> to vector<16xf32>
      %get3A_698 = arith.constant 10 : i32
      %get3A_699 = arith.index_cast %get3A_698 : i32 to index
      %get3A_700 = arith.constant 0 : index
      %get3A_701 = tpu.vector_load %arg10[%get3A_699, %get3A_700] {strides = array<i32>} : memref<16x128xf32, #tpu.memory_space<vmem>>, vector<1x16xf32>,
      %get3A_702 = vector.shape_cast %get3A_701 : vector<1x16xf32> to vector<16xf32>
      %add3A_703 = arith.addf %get3A_697, %get3A_702 : vector<16xf32>
      %swap3A_704 = arith.constant 10 : i32
      %swap3A_705 = arith.index_cast %swap3A_704 : i32 to index
      %swap3A_706 = arith.constant 0 : index
      %swap3A_707 = tpu.vector_load %arg9[%swap3A_705, %swap3A_706] {strides = array<i32>} : memref<16x128xf32, #tpu.memory_space<vmem>>, vector<1x16xf32>,
      %swap3A_708 = vector.shape_cast %swap3A_707 : vector<1x16xf32> to vector<16xf32>
      %swap3A_709 = vector.shape_cast %add3A_703 : vector<16xf32> to vector<1x16xf32>
      tpu.vector_store %arg9[%swap3A_705, %swap3A_706], %swap3A_709 {strides = array<i32>} : memref<16x128xf32, #tpu.memory_space<vmem>>, vector<1x16xf32>,
      %get3A_710 = arith.constant 10 : i32
      %get3A_711 = arith.index_cast %get3A_710 : i32 to index
      %get3A_712 = arith.constant 16 : index
      %get3A_713 = tpu.vector_load %arg9[%get3A_711, %get3A_712] {strides = array<i32>} : memref<16x128xf32, #tpu.memory_space<vmem>>, vector<1x16xf32>,
      %get3A_714 = vector.shape_cast %get3A_713 : vector<1x16xf32> to vector<16xf32>
      %get3A_715 = arith.constant 10 : i32
      %get3A_716 = arith.index_cast %get3A_715 : i32 to index
      %get3A_717 = arith.constant 16 : index
      %get3A_718 = tpu.vector_load %arg10[%get3A_716, %get3A_717] {strides = array<i32>} : memref<16x128xf32, #tpu.memory_space<vmem>>, vector<1x16xf32>,
      %get3A_719 = vector.shape_cast %get3A_718 : vector<1x16xf32> to vector<16xf32>
      %add3A_720 = arith.addf %get3A_714, %get3A_719 : vector<16xf32>
      %swap3A_721 = arith.constant 10 : i32
      %swap3A_722 = arith.index_cast %swap3A_721 : i32 to index
      %swap3A_723 = arith.constant 16 : index
      %swap3A_724 = tpu.vector_load %arg9[%swap3A_722, %swap3A_723] {strides = array<i32>} : memref<16x128xf32, #tpu.memory_space<vmem>>, vector<1x16xf32>,
      %swap3A_725 = vector.shape_cast %swap3A_724 : vector<1x16xf32> to vector<16xf32>
      %swap3A_726 = vector.shape_cast %add3A_720 : vector<16xf32> to vector<1x16xf32>
      tpu.vector_store %arg9[%swap3A_722, %swap3A_723], %swap3A_726 {strides = array<i32>} : memref<16x128xf32, #tpu.memory_space<vmem>>, vector<1x16xf32>,
      %get3A_727 = arith.constant 10 : i32
      %get3A_728 = arith.index_cast %get3A_727 : i32 to index
      %get3A_729 = arith.constant 32 : index
      %get3A_730 = tpu.vector_load %arg9[%get3A_728, %get3A_729] {strides = array<i32>} : memref<16x128xf32, #tpu.memory_space<vmem>>, vector<1x16xf32>,
      %get3A_731 = vector.shape_cast %get3A_730 : vector<1x16xf32> to vector<16xf32>
      %get3A_732 = arith.constant 10 : i32
      %get3A_733 = arith.index_cast %get3A_732 : i32 to index
      %get3A_734 = arith.constant 32 : index
      %get3A_735 = tpu.vector_load %arg10[%get3A_733, %get3A_734] {strides = array<i32>} : memref<16x128xf32, #tpu.memory_space<vmem>>, vector<1x16xf32>,
      %get3A_736 = vector.shape_cast %get3A_735 : vector<1x16xf32> to vector<16xf32>
      %add3A_737 = arith.addf %get3A_731, %get3A_736 : vector<16xf32>
      %swap3A_738 = arith.constant 10 : i32
      %swap3A_739 = arith.index_cast %swap3A_738 : i32 to index
      %swap3A_740 = arith.constant 32 : index
      %swap3A_741 = tpu.vector_load %arg9[%swap3A_739, %swap3A_740] {strides = array<i32>} : memref<16x128xf32, #tpu.memory_space<vmem>>, vector<1x16xf32>,
      %swap3A_742 = vector.shape_cast %swap3A_741 : vector<1x16xf32> to vector<16xf32>
      %swap3A_743 = vector.shape_cast %add3A_737 : vector<16xf32> to vector<1x16xf32>
      tpu.vector_store %arg9[%swap3A_739, %swap3A_740], %swap3A_743 {strides = array<i32>} : memref<16x128xf32, #tpu.memory_space<vmem>>, vector<1x16xf32>,
      %get3A_744 = arith.constant 10 : i32
      %get3A_745 = arith.index_cast %get3A_744 : i32 to index
      %get3A_746 = arith.constant 48 : index
      %get3A_747 = tpu.vector_load %arg9[%get3A_745, %get3A_746] {strides = array<i32>} : memref<16x128xf32, #tpu.memory_space<vmem>>, vector<1x16xf32>,
      %get3A_748 = vector.shape_cast %get3A_747 : vector<1x16xf32> to vector<16xf32>
      %get3A_749 = arith.constant 10 : i32
      %get3A_750 = arith.index_cast %get3A_749 : i32 to index
      %get3A_751 = arith.constant 48 : index
      %get3A_752 = tpu.vector_load %arg10[%get3A_750, %get3A_751] {strides = array<i32>} : memref<16x128xf32, #tpu.memory_space<vmem>>, vector<1x16xf32>,
      %get3A_753 = vector.shape_cast %get3A_752 : vector<1x16xf32> to vector<16xf32>
      %add3A_754 = arith.addf %get3A_748, %get3A_753 : vector<16xf32>
      %swap3A_755 = arith.constant 10 : i32
      %swap3A_756 = arith.index_cast %swap3A_755 : i32 to index
      %swap3A_757 = arith.constant 48 : index
      %swap3A_758 = tpu.vector_load %arg9[%swap3A_756, %swap3A_757] {strides = array<i32>} : memref<16x128xf32, #tpu.memory_space<vmem>>, vector<1x16xf32>,
      %swap3A_759 = vector.shape_cast %swap3A_758 : vector<1x16xf32> to vector<16xf32>
      %swap3A_760 = vector.shape_cast %add3A_754 : vector<16xf32> to vector<1x16xf32>
      tpu.vector_store %arg9[%swap3A_756, %swap3A_757], %swap3A_760 {strides = array<i32>} : memref<16x128xf32, #tpu.memory_space<vmem>>, vector<1x16xf32>,
      %get3A_761 = arith.constant 11 : i32
      %get3A_762 = arith.index_cast %get3A_761 : i32 to index
      %get3A_763 = arith.constant 0 : index
      %get3A_764 = tpu.vector_load %arg9[%get3A_762, %get3A_763] {strides = array<i32>} : memref<16x128xf32, #tpu.memory_space<vmem>>, vector<1x16xf32>,
      %get3A_765 = vector.shape_cast %get3A_764 : vector<1x16xf32> to vector<16xf32>
      %get3A_766 = arith.constant 11 : i32
      %get3A_767 = arith.index_cast %get3A_766 : i32 to index
      %get3A_768 = arith.constant 0 : index
      %get3A_769 = tpu.vector_load %arg10[%get3A_767, %get3A_768] {strides = array<i32>} : memref<16x128xf32, #tpu.memory_space<vmem>>, vector<1x16xf32>,
      %get3A_770 = vector.shape_cast %get3A_769 : vector<1x16xf32> to vector<16xf32>
      %add3A_771 = arith.addf %get3A_765, %get3A_770 : vector<16xf32>
      %swap3A_772 = arith.constant 11 : i32
      %swap3A_773 = arith.index_cast %swap3A_772 : i32 to index
      %swap3A_774 = arith.constant 0 : index
      %swap3A_775 = tpu.vector_load %arg9[%swap3A_773, %swap3A_774] {strides = array<i32>} : memref<16x128xf32, #tpu.memory_space<vmem>>, vector<1x16xf32>,
      %swap3A_776 = vector.shape_cast %swap3A_775 : vector<1x16xf32> to vector<16xf32>
      %swap3A_777 = vector.shape_cast %add3A_771 : vector<16xf32> to vector<1x16xf32>
      tpu.vector_store %arg9[%swap3A_773, %swap3A_774], %swap3A_777 {strides = array<i32>} : memref<16x128xf32, #tpu.memory_space<vmem>>, vector<1x16xf32>,
      %get3A_778 = arith.constant 11 : i32
      %get3A_779 = arith.index_cast %get3A_778 : i32 to index
      %get3A_780 = arith.constant 16 : index
      %get3A_781 = tpu.vector_load %arg9[%get3A_779, %get3A_780] {strides = array<i32>} : memref<16x128xf32, #tpu.memory_space<vmem>>, vector<1x16xf32>,
      %get3A_782 = vector.shape_cast %get3A_781 : vector<1x16xf32> to vector<16xf32>
      %get3A_783 = arith.constant 11 : i32
      %get3A_784 = arith.index_cast %get3A_783 : i32 to index
      %get3A_785 = arith.constant 16 : index
      %get3A_786 = tpu.vector_load %arg10[%get3A_784, %get3A_785] {strides = array<i32>} : memref<16x128xf32, #tpu.memory_space<vmem>>, vector<1x16xf32>,
      %get3A_787 = vector.shape_cast %get3A_786 : vector<1x16xf32> to vector<16xf32>
      %add3A_788 = arith.addf %get3A_782, %get3A_787 : vector<16xf32>
      %swap3A_789 = arith.constant 11 : i32
      %swap3A_790 = arith.index_cast %swap3A_789 : i32 to index
      %swap3A_791 = arith.constant 16 : index
      %swap3A_792 = tpu.vector_load %arg9[%swap3A_790, %swap3A_791] {strides = array<i32>} : memref<16x128xf32, #tpu.memory_space<vmem>>, vector<1x16xf32>,
      %swap3A_793 = vector.shape_cast %swap3A_792 : vector<1x16xf32> to vector<16xf32>
      %swap3A_794 = vector.shape_cast %add3A_788 : vector<16xf32> to vector<1x16xf32>
      tpu.vector_store %arg9[%swap3A_790, %swap3A_791], %swap3A_794 {strides = array<i32>} : memref<16x128xf32, #tpu.memory_space<vmem>>, vector<1x16xf32>,
      %get3A_795 = arith.constant 11 : i32
      %get3A_796 = arith.index_cast %get3A_795 : i32 to index
      %get3A_797 = arith.constant 32 : index
      %get3A_798 = tpu.vector_load %arg9[%get3A_796, %get3A_797] {strides = array<i32>} : memref<16x128xf32, #tpu.memory_space<vmem>>, vector<1x16xf32>,
      %get3A_799 = vector.shape_cast %get3A_798 : vector<1x16xf32> to vector<16xf32>
      %get3A_800 = arith.constant 11 : i32
      %get3A_801 = arith.index_cast %get3A_800 : i32 to index
      %get3A_802 = arith.constant 32 : index
      %get3A_803 = tpu.vector_load %arg10[%get3A_801, %get3A_802] {strides = array<i32>} : memref<16x128xf32, #tpu.memory_space<vmem>>, vector<1x16xf32>,
      %get3A_804 = vector.shape_cast %get3A_803 : vector<1x16xf32> to vector<16xf32>
      %add3A_805 = arith.addf %get3A_799, %get3A_804 : vector<16xf32>
      %swap3A_806 = arith.constant 11 : i32
      %swap3A_807 = arith.index_cast %swap3A_806 : i32 to index
      %swap3A_808 = arith.constant 32 : index
      %swap3A_809 = tpu.vector_load %arg9[%swap3A_807, %swap3A_808] {strides = array<i32>} : memref<16x128xf32, #tpu.memory_space<vmem>>, vector<1x16xf32>,
      %swap3A_810 = vector.shape_cast %swap3A_809 : vector<1x16xf32> to vector<16xf32>
      %swap3A_811 = vector.shape_cast %add3A_805 : vector<16xf32> to vector<1x16xf32>
      tpu.vector_store %arg9[%swap3A_807, %swap3A_808], %swap3A_811 {strides = array<i32>} : memref<16x128xf32, #tpu.memory_space<vmem>>, vector<1x16xf32>,
      %get3A_812 = arith.constant 11 : i32
      %get3A_813 = arith.index_cast %get3A_812 : i32 to index
      %get3A_814 = arith.constant 48 : index
      %get3A_815 = tpu.vector_load %arg9[%get3A_813, %get3A_814] {strides = array<i32>} : memref<16x128xf32, #tpu.memory_space<vmem>>, vector<1x16xf32>,
      %get3A_816 = vector.shape_cast %get3A_815 : vector<1x16xf32> to vector<16xf32>
      %get3A_817 = arith.constant 11 : i32
      %get3A_818 = arith.index_cast %get3A_817 : i32 to index
      %get3A_819 = arith.constant 48 : index
      %get3A_820 = tpu.vector_load %arg10[%get3A_818, %get3A_819] {strides = array<i32>} : memref<16x128xf32, #tpu.memory_space<vmem>>, vector<1x16xf32>,
      %get3A_821 = vector.shape_cast %get3A_820 : vector<1x16xf32> to vector<16xf32>
      %add3A_822 = arith.addf %get3A_816, %get3A_821 : vector<16xf32>
      %swap3A_823 = arith.constant 11 : i32
      %swap3A_824 = arith.index_cast %swap3A_823 : i32 to index
      %swap3A_825 = arith.constant 48 : index
      %swap3A_826 = tpu.vector_load %arg9[%swap3A_824, %swap3A_825] {strides = array<i32>} : memref<16x128xf32, #tpu.memory_space<vmem>>, vector<1x16xf32>,
      %swap3A_827 = vector.shape_cast %swap3A_826 : vector<1x16xf32> to vector<16xf32>
      %swap3A_828 = vector.shape_cast %add3A_822 : vector<16xf32> to vector<1x16xf32>
      tpu.vector_store %arg9[%swap3A_824, %swap3A_825], %swap3A_828 {strides = array<i32>} : memref<16x128xf32, #tpu.memory_space<vmem>>, vector<1x16xf32>,
      %get3A_829 = arith.constant 12 : i32
      %get3A_830 = arith.index_cast %get3A_829 : i32 to index
      %get3A_831 = arith.constant 0 : index
      %get3A_832 = tpu.vector_load %arg9[%get3A_830, %get3A_831] {strides = array<i32>} : memref<16x128xf32, #tpu.memory_space<vmem>>, vector<1x16xf32>,
      %get3A_833 = vector.shape_cast %get3A_832 : vector<1x16xf32> to vector<16xf32>
      %get3A_834 = arith.constant 12 : i32
      %get3A_835 = arith.index_cast %get3A_834 : i32 to index
      %get3A_836 = arith.constant 0 : index
      %get3A_837 = tpu.vector_load %arg10[%get3A_835, %get3A_836] {strides = array<i32>} : memref<16x128xf32, #tpu.memory_space<vmem>>, vector<1x16xf32>,
      %get3A_838 = vector.shape_cast %get3A_837 : vector<1x16xf32> to vector<16xf32>
      %add3A_839 = arith.addf %get3A_833, %get3A_838 : vector<16xf32>
      %swap3A_840 = arith.constant 12 : i32
      %swap3A_841 = arith.index_cast %swap3A_840 : i32 to index
      %swap3A_842 = arith.constant 0 : index
      %swap3A_843 = tpu.vector_load %arg9[%swap3A_841, %swap3A_842] {strides = array<i32>} : memref<16x128xf32, #tpu.memory_space<vmem>>, vector<1x16xf32>,
      %swap3A_844 = vector.shape_cast %swap3A_843 : vector<1x16xf32> to vector<16xf32>
      %swap3A_845 = vector.shape_cast %add3A_839 : vector<16xf32> to vector<1x16xf32>
      tpu.vector_store %arg9[%swap3A_841, %swap3A_842], %swap3A_845 {strides = array<i32>} : memref<16x128xf32, #tpu.memory_space<vmem>>, vector<1x16xf32>,
      %get3A_846 = arith.constant 12 : i32
      %get3A_847 = arith.index_cast %get3A_846 : i32 to index
      %get3A_848 = arith.constant 16 : index
      %get3A_849 = tpu.vector_load %arg9[%get3A_847, %get3A_848] {strides = array<i32>} : memref<16x128xf32, #tpu.memory_space<vmem>>, vector<1x16xf32>,
      %get3A_850 = vector.shape_cast %get3A_849 : vector<1x16xf32> to vector<16xf32>
      %get3A_851 = arith.constant 12 : i32
      %get3A_852 = arith.index_cast %get3A_851 : i32 to index
      %get3A_853 = arith.constant 16 : index
      %get3A_854 = tpu.vector_load %arg10[%get3A_852, %get3A_853] {strides = array<i32>} : memref<16x128xf32, #tpu.memory_space<vmem>>, vector<1x16xf32>,
      %get3A_855 = vector.shape_cast %get3A_854 : vector<1x16xf32> to vector<16xf32>
      %add3A_856 = arith.addf %get3A_850, %get3A_855 : vector<16xf32>
      %swap3A_857 = arith.constant 12 : i32
      %swap3A_858 = arith.index_cast %swap3A_857 : i32 to index
      %swap3A_859 = arith.constant 16 : index
      %swap3A_860 = tpu.vector_load %arg9[%swap3A_858, %swap3A_859] {strides = array<i32>} : memref<16x128xf32, #tpu.memory_space<vmem>>, vector<1x16xf32>,
      %swap3A_861 = vector.shape_cast %swap3A_860 : vector<1x16xf32> to vector<16xf32>
      %swap3A_862 = vector.shape_cast %add3A_856 : vector<16xf32> to vector<1x16xf32>
      tpu.vector_store %arg9[%swap3A_858, %swap3A_859], %swap3A_862 {strides = array<i32>} : memref<16x128xf32, #tpu.memory_space<vmem>>, vector<1x16xf32>,
      %get3A_863 = arith.constant 12 : i32
      %get3A_864 = arith.index_cast %get3A_863 : i32 to index
      %get3A_865 = arith.constant 32 : index
      %get3A_866 = tpu.vector_load %arg9[%get3A_864, %get3A_865] {strides = array<i32>} : memref<16x128xf32, #tpu.memory_space<vmem>>, vector<1x16xf32>,
      %get3A_867 = vector.shape_cast %get3A_866 : vector<1x16xf32> to vector<16xf32>
      %get3A_868 = arith.constant 12 : i32
      %get3A_869 = arith.index_cast %get3A_868 : i32 to index
      %get3A_870 = arith.constant 32 : index
      %get3A_871 = tpu.vector_load %arg10[%get3A_869, %get3A_870] {strides = array<i32>} : memref<16x128xf32, #tpu.memory_space<vmem>>, vector<1x16xf32>,
      %get3A_872 = vector.shape_cast %get3A_871 : vector<1x16xf32> to vector<16xf32>
      %add3A_873 = arith.addf %get3A_867, %get3A_872 : vector<16xf32>
      %swap3A_874 = arith.constant 12 : i32
      %swap3A_875 = arith.index_cast %swap3A_874 : i32 to index
      %swap3A_876 = arith.constant 32 : index
      %swap3A_877 = tpu.vector_load %arg9[%swap3A_875, %swap3A_876] {strides = array<i32>} : memref<16x128xf32, #tpu.memory_space<vmem>>, vector<1x16xf32>,
      %swap3A_878 = vector.shape_cast %swap3A_877 : vector<1x16xf32> to vector<16xf32>
      %swap3A_879 = vector.shape_cast %add3A_873 : vector<16xf32> to vector<1x16xf32>
      tpu.vector_store %arg9[%swap3A_875, %swap3A_876], %swap3A_879 {strides = array<i32>} : memref<16x128xf32, #tpu.memory_space<vmem>>, vector<1x16xf32>,
      %get3A_880 = arith.constant 12 : i32
      %get3A_881 = arith.index_cast %get3A_880 : i32 to index
      %get3A_882 = arith.constant 48 : index
      %get3A_883 = tpu.vector_load %arg9[%get3A_881, %get3A_882] {strides = array<i32>} : memref<16x128xf32, #tpu.memory_space<vmem>>, vector<1x16xf32>,
      %get3A_884 = vector.shape_cast %get3A_883 : vector<1x16xf32> to vector<16xf32>
      %get3A_885 = arith.constant 12 : i32
      %get3A_886 = arith.index_cast %get3A_885 : i32 to index
      %get3A_887 = arith.constant 48 : index
      %get3A_888 = tpu.vector_load %arg10[%get3A_886, %get3A_887] {strides = array<i32>} : memref<16x128xf32, #tpu.memory_space<vmem>>, vector<1x16xf32>,
      %get3A_889 = vector.shape_cast %get3A_888 : vector<1x16xf32> to vector<16xf32>
      %add3A_890 = arith.addf %get3A_884, %get3A_889 : vector<16xf32>
      %swap3A_891 = arith.constant 12 : i32
      %swap3A_892 = arith.index_cast %swap3A_891 : i32 to index
      %swap3A_893 = arith.constant 48 : index
      %swap3A_894 = tpu.vector_load %arg9[%swap3A_892, %swap3A_893] {strides = array<i32>} : memref<16x128xf32, #tpu.memory_space<vmem>>, vector<1x16xf32>,
      %swap3A_895 = vector.shape_cast %swap3A_894 : vector<1x16xf32> to vector<16xf32>
      %swap3A_896 = vector.shape_cast %add3A_890 : vector<16xf32> to vector<1x16xf32>
      tpu.vector_store %arg9[%swap3A_892, %swap3A_893], %swap3A_896 {strides = array<i32>} : memref<16x128xf32, #tpu.memory_space<vmem>>, vector<1x16xf32>,
      %get3A_897 = arith.constant 13 : i32
      %get3A_898 = arith.index_cast %get3A_897 : i32 to index
      %get3A_899 = arith.constant 0 : index
      %get3A_900 = tpu.vector_load %arg9[%get3A_898, %get3A_899] {strides = array<i32>} : memref<16x128xf32, #tpu.memory_space<vmem>>, vector<1x16xf32>,
      %get3A_901 = vector.shape_cast %get3A_900 : vector<1x16xf32> to vector<16xf32>
      %get3A_902 = arith.constant 13 : i32
      %get3A_903 = arith.index_cast %get3A_902 : i32 to index
      %get3A_904 = arith.constant 0 : index
      %get3A_905 = tpu.vector_load %arg10[%get3A_903, %get3A_904] {strides = array<i32>} : memref<16x128xf32, #tpu.memory_space<vmem>>, vector<1x16xf32>,
      %get3A_906 = vector.shape_cast %get3A_905 : vector<1x16xf32> to vector<16xf32>
      %add3A_907 = arith.addf %get3A_901, %get3A_906 : vector<16xf32>
      %swap3A_908 = arith.constant 13 : i32
      %swap3A_909 = arith.index_cast %swap3A_908 : i32 to index
      %swap3A_910 = arith.constant 0 : index
      %swap3A_911 = tpu.vector_load %arg9[%swap3A_909, %swap3A_910] {strides = array<i32>} : memref<16x128xf32, #tpu.memory_space<vmem>>, vector<1x16xf32>,
      %swap3A_912 = vector.shape_cast %swap3A_911 : vector<1x16xf32> to vector<16xf32>
      %swap3A_913 = vector.shape_cast %add3A_907 : vector<16xf32> to vector<1x16xf32>
      tpu.vector_store %arg9[%swap3A_909, %swap3A_910], %swap3A_913 {strides = array<i32>} : memref<16x128xf32, #tpu.memory_space<vmem>>, vector<1x16xf32>,
      %get3A_914 = arith.constant 13 : i32
      %get3A_915 = arith.index_cast %get3A_914 : i32 to index
      %get3A_916 = arith.constant 16 : index
      %get3A_917 = tpu.vector_load %arg9[%get3A_915, %get3A_916] {strides = array<i32>} : memref<16x128xf32, #tpu.memory_space<vmem>>, vector<1x16xf32>,
      %get3A_918 = vector.shape_cast %get3A_917 : vector<1x16xf32> to vector<16xf32>
      %get3A_919 = arith.constant 13 : i32
      %get3A_920 = arith.index_cast %get3A_919 : i32 to index
      %get3A_921 = arith.constant 16 : index
      %get3A_922 = tpu.vector_load %arg10[%get3A_920, %get3A_921] {strides = array<i32>} : memref<16x128xf32, #tpu.memory_space<vmem>>, vector<1x16xf32>,
      %get3A_923 = vector.shape_cast %get3A_922 : vector<1x16xf32> to vector<16xf32>
      %add3A_924 = arith.addf %get3A_918, %get3A_923 : vector<16xf32>
      %swap3A_925 = arith.constant 13 : i32
      %swap3A_926 = arith.index_cast %swap3A_925 : i32 to index
      %swap3A_927 = arith.constant 16 : index
      %swap3A_928 = tpu.vector_load %arg9[%swap3A_926, %swap3A_927] {strides = array<i32>} : memref<16x128xf32, #tpu.memory_space<vmem>>, vector<1x16xf32>,
      %swap3A_929 = vector.shape_cast %swap3A_928 : vector<1x16xf32> to vector<16xf32>
      %swap3A_930 = vector.shape_cast %add3A_924 : vector<16xf32> to vector<1x16xf32>
      tpu.vector_store %arg9[%swap3A_926, %swap3A_927], %swap3A_930 {strides = array<i32>} : memref<16x128xf32, #tpu.memory_space<vmem>>, vector<1x16xf32>,
      %get3A_931 = arith.constant 13 : i32
      %get3A_932 = arith.index_cast %get3A_931 : i32 to index
      %get3A_933 = arith.constant 32 : index
      %get3A_934 = tpu.vector_load %arg9[%get3A_932, %get3A_933] {strides = array<i32>} : memref<16x128xf32, #tpu.memory_space<vmem>>, vector<1x16xf32>,
      %get3A_935 = vector.shape_cast %get3A_934 : vector<1x16xf32> to vector<16xf32>
      %get3A_936 = arith.constant 13 : i32
      %get3A_937 = arith.index_cast %get3A_936 : i32 to index
      %get3A_938 = arith.constant 32 : index
      %get3A_939 = tpu.vector_load %arg10[%get3A_937, %get3A_938] {strides = array<i32>} : memref<16x128xf32, #tpu.memory_space<vmem>>, vector<1x16xf32>,
      %get3A_940 = vector.shape_cast %get3A_939 : vector<1x16xf32> to vector<16xf32>
      %add3A_941 = arith.addf %get3A_935, %get3A_940 : vector<16xf32>
      %swap3A_942 = arith.constant 13 : i32
      %swap3A_943 = arith.index_cast %swap3A_942 : i32 to index
      %swap3A_944 = arith.constant 32 : index
      %swap3A_945 = tpu.vector_load %arg9[%swap3A_943, %swap3A_944] {strides = array<i32>} : memref<16x128xf32, #tpu.memory_space<vmem>>, vector<1x16xf32>,
      %swap3A_946 = vector.shape_cast %swap3A_945 : vector<1x16xf32> to vector<16xf32>
      %swap3A_947 = vector.shape_cast %add3A_941 : vector<16xf32> to vector<1x16xf32>
      tpu.vector_store %arg9[%swap3A_943, %swap3A_944], %swap3A_947 {strides = array<i32>} : memref<16x128xf32, #tpu.memory_space<vmem>>, vector<1x16xf32>,
      %get3A_948 = arith.constant 13 : i32
      %get3A_949 = arith.index_cast %get3A_948 : i32 to index
      %get3A_950 = arith.constant 48 : index
      %get3A_951 = tpu.vector_load %arg9[%get3A_949, %get3A_950] {strides = array<i32>} : memref<16x128xf32, #tpu.memory_space<vmem>>, vector<1x16xf32>,
      %get3A_952 = vector.shape_cast %get3A_951 : vector<1x16xf32> to vector<16xf32>
      %get3A_953 = arith.constant 13 : i32
      %get3A_954 = arith.index_cast %get3A_953 : i32 to index
      %get3A_955 = arith.constant 48 : index
      %get3A_956 = tpu.vector_load %arg10[%get3A_954, %get3A_955] {strides = array<i32>} : memref<16x128xf32, #tpu.memory_space<vmem>>, vector<1x16xf32>,
      %get3A_957 = vector.shape_cast %get3A_956 : vector<1x16xf32> to vector<16xf32>
      %add3A_958 = arith.addf %get3A_952, %get3A_957 : vector<16xf32>
      %swap3A_959 = arith.constant 13 : i32
      %swap3A_960 = arith.index_cast %swap3A_959 : i32 to index
      %swap3A_961 = arith.constant 48 : index
      %swap3A_962 = tpu.vector_load %arg9[%swap3A_960, %swap3A_961] {strides = array<i32>} : memref<16x128xf32, #tpu.memory_space<vmem>>, vector<1x16xf32>,
      %swap3A_963 = vector.shape_cast %swap3A_962 : vector<1x16xf32> to vector<16xf32>
      %swap3A_964 = vector.shape_cast %add3A_958 : vector<16xf32> to vector<1x16xf32>
      tpu.vector_store %arg9[%swap3A_960, %swap3A_961], %swap3A_964 {strides = array<i32>} : memref<16x128xf32, #tpu.memory_space<vmem>>, vector<1x16xf32>,
      %get3A_965 = arith.constant 14 : i32
      %get3A_966 = arith.index_cast %get3A_965 : i32 to index
      %get3A_967 = arith.constant 0 : index
      %get3A_968 = tpu.vector_load %arg9[%get3A_966, %get3A_967] {strides = array<i32>} : memref<16x128xf32, #tpu.memory_space<vmem>>, vector<1x16xf32>,
      %get3A_969 = vector.shape_cast %get3A_968 : vector<1x16xf32> to vector<16xf32>
      %get3A_970 = arith.constant 14 : i32
      %get3A_971 = arith.index_cast %get3A_970 : i32 to index
      %get3A_972 = arith.constant 0 : index
      %get3A_973 = tpu.vector_load %arg10[%get3A_971, %get3A_972] {strides = array<i32>} : memref<16x128xf32, #tpu.memory_space<vmem>>, vector<1x16xf32>,
      %get3A_974 = vector.shape_cast %get3A_973 : vector<1x16xf32> to vector<16xf32>
      %add3A_975 = arith.addf %get3A_969, %get3A_974 : vector<16xf32>
      %swap3A_976 = arith.constant 14 : i32
      %swap3A_977 = arith.index_cast %swap3A_976 : i32 to index
      %swap3A_978 = arith.constant 0 : index
      %swap3A_979 = tpu.vector_load %arg9[%swap3A_977, %swap3A_978] {strides = array<i32>} : memref<16x128xf32, #tpu.memory_space<vmem>>, vector<1x16xf32>,
      %swap3A_980 = vector.shape_cast %swap3A_979 : vector<1x16xf32> to vector<16xf32>
      %swap3A_981 = vector.shape_cast %add3A_975 : vector<16xf32> to vector<1x16xf32>
      tpu.vector_store %arg9[%swap3A_977, %swap3A_978], %swap3A_981 {strides = array<i32>} : memref<16x128xf32, #tpu.memory_space<vmem>>, vector<1x16xf32>,
      %get3A_982 = arith.constant 14 : i32
      %get3A_983 = arith.index_cast %get3A_982 : i32 to index
      %get3A_984 = arith.constant 16 : index
      %get3A_985 = tpu.vector_load %arg9[%get3A_983, %get3A_984] {strides = array<i32>} : memref<16x128xf32, #tpu.memory_space<vmem>>, vector<1x16xf32>,
      %get3A_986 = vector.shape_cast %get3A_985 : vector<1x16xf32> to vector<16xf32>
      %get3A_987 = arith.constant 14 : i32
      %get3A_988 = arith.index_cast %get3A_987 : i32 to index
      %get3A_989 = arith.constant 16 : index
      %get3A_990 = tpu.vector_load %arg10[%get3A_988, %get3A_989] {strides = array<i32>} : memref<16x128xf32, #tpu.memory_space<vmem>>, vector<1x16xf32>,
      %get3A_991 = vector.shape_cast %get3A_990 : vector<1x16xf32> to vector<16xf32>
      %add3A_992 = arith.addf %get3A_986, %get3A_991 : vector<16xf32>
      %swap3A_993 = arith.constant 14 : i32
      %swap3A_994 = arith.index_cast %swap3A_993 : i32 to index
      %swap3A_995 = arith.constant 16 : index
      %swap3A_996 = tpu.vector_load %arg9[%swap3A_994, %swap3A_995] {strides = array<i32>} : memref<16x128xf32, #tpu.memory_space<vmem>>, vector<1x16xf32>,
      %swap3A_997 = vector.shape_cast %swap3A_996 : vector<1x16xf32> to vector<16xf32>
      %swap3A_998 = vector.shape_cast %add3A_992 : vector<16xf32> to vector<1x16xf32>
      tpu.vector_store %arg9[%swap3A_994, %swap3A_995], %swap3A_998 {strides = array<i32>} : memref<16x128xf32, #tpu.memory_space<vmem>>, vector<1x16xf32>,
      %get3A_999 = arith.constant 14 : i32
      %get3A_1000 = arith.index_cast %get3A_999 : i32 to index
      %get3A_1001 = arith.constant 32 : index
      %get3A_1002 = tpu.vector_load %arg9[%get3A_1000, %get3A_1001] {strides = array<i32>} : memref<16x128xf32, #tpu.memory_space<vmem>>, vector<1x16xf32>,
      %get3A_1003 = vector.shape_cast %get3A_1002 : vector<1x16xf32> to vector<16xf32>
      %get3A_1004 = arith.constant 14 : i32
      %get3A_1005 = arith.index_cast %get3A_1004 : i32 to index
      %get3A_1006 = arith.constant 32 : index
      %get3A_1007 = tpu.vector_load %arg10[%get3A_1005, %get3A_1006] {strides = array<i32>} : memref<16x128xf32, #tpu.memory_space<vmem>>, vector<1x16xf32>,
      %get3A_1008 = vector.shape_cast %get3A_1007 : vector<1x16xf32> to vector<16xf32>
      %add3A_1009 = arith.addf %get3A_1003, %get3A_1008 : vector<16xf32>
      %swap3A_1010 = arith.constant 14 : i32
      %swap3A_1011 = arith.index_cast %swap3A_1010 : i32 to index
      %swap3A_1012 = arith.constant 32 : index
      %swap3A_1013 = tpu.vector_load %arg9[%swap3A_1011, %swap3A_1012] {strides = array<i32>} : memref<16x128xf32, #tpu.memory_space<vmem>>, vector<1x16xf32>,
      %swap3A_1014 = vector.shape_cast %swap3A_1013 : vector<1x16xf32> to vector<16xf32>
      %swap3A_1015 = vector.shape_cast %add3A_1009 : vector<16xf32> to vector<1x16xf32>
      tpu.vector_store %arg9[%swap3A_1011, %swap3A_1012], %swap3A_1015 {strides = array<i32>} : memref<16x128xf32, #tpu.memory_space<vmem>>, vector<1x16xf32>,
      %get3A_1016 = arith.constant 14 : i32
      %get3A_1017 = arith.index_cast %get3A_1016 : i32 to index
      %get3A_1018 = arith.constant 48 : index
      %get3A_1019 = tpu.vector_load %arg9[%get3A_1017, %get3A_1018] {strides = array<i32>} : memref<16x128xf32, #tpu.memory_space<vmem>>, vector<1x16xf32>,
      %get3A_1020 = vector.shape_cast %get3A_1019 : vector<1x16xf32> to vector<16xf32>
      %get3A_1021 = arith.constant 14 : i32
      %get3A_1022 = arith.index_cast %get3A_1021 : i32 to index
      %get3A_1023 = arith.constant 48 : index
      %get3A_1024 = tpu.vector_load %arg10[%get3A_1022, %get3A_1023] {strides = array<i32>} : memref<16x128xf32, #tpu.memory_space<vmem>>, vector<1x16xf32>,
      %get3A_1025 = vector.shape_cast %get3A_1024 : vector<1x16xf32> to vector<16xf32>
      %add3A_1026 = arith.addf %get3A_1020, %get3A_1025 : vector<16xf32>
      %swap3A_1027 = arith.constant 14 : i32
      %swap3A_1028 = arith.index_cast %swap3A_1027 : i32 to index
      %swap3A_1029 = arith.constant 48 : index
      %swap3A_1030 = tpu.vector_load %arg9[%swap3A_1028, %swap3A_1029] {strides = array<i32>} : memref<16x128xf32, #tpu.memory_space<vmem>>, vector<1x16xf32>,
      %swap3A_1031 = vector.shape_cast %swap3A_1030 : vector<1x16xf32> to vector<16xf32>
      %swap3A_1032 = vector.shape_cast %add3A_1026 : vector<16xf32> to vector<1x16xf32>
      tpu.vector_store %arg9[%swap3A_1028, %swap3A_1029], %swap3A_1032 {strides = array<i32>} : memref<16x128xf32, #tpu.memory_space<vmem>>, vector<1x16xf32>,
      %get3A_1033 = arith.constant 15 : i32
      %get3A_1034 = arith.index_cast %get3A_1033 : i32 to index
      %get3A_1035 = arith.constant 0 : index
      %get3A_1036 = tpu.vector_load %arg9[%get3A_1034, %get3A_1035] {strides = array<i32>} : memref<16x128xf32, #tpu.memory_space<vmem>>, vector<1x16xf32>,
      %get3A_1037 = vector.shape_cast %get3A_1036 : vector<1x16xf32> to vector<16xf32>
      %get3A_1038 = arith.constant 15 : i32
      %get3A_1039 = arith.index_cast %get3A_1038 : i32 to index
      %get3A_1040 = arith.constant 0 : index
      %get3A_1041 = tpu.vector_load %arg10[%get3A_1039, %get3A_1040] {strides = array<i32>} : memref<16x128xf32, #tpu.memory_space<vmem>>, vector<1x16xf32>,
      %get3A_1042 = vector.shape_cast %get3A_1041 : vector<1x16xf32> to vector<16xf32>
      %add3A_1043 = arith.addf %get3A_1037, %get3A_1042 : vector<16xf32>
      %swap3A_1044 = arith.constant 15 : i32
      %swap3A_1045 = arith.index_cast %swap3A_1044 : i32 to index
      %swap3A_1046 = arith.constant 0 : index
      %swap3A_1047 = tpu.vector_load %arg9[%swap3A_1045, %swap3A_1046] {strides = array<i32>} : memref<16x128xf32, #tpu.memory_space<vmem>>, vector<1x16xf32>,
      %swap3A_1048 = vector.shape_cast %swap3A_1047 : vector<1x16xf32> to vector<16xf32>
      %swap3A_1049 = vector.shape_cast %add3A_1043 : vector<16xf32> to vector<1x16xf32>
      tpu.vector_store %arg9[%swap3A_1045, %swap3A_1046], %swap3A_1049 {strides = array<i32>} : memref<16x128xf32, #tpu.memory_space<vmem>>, vector<1x16xf32>,
      %get3A_1050 = arith.constant 15 : i32
      %get3A_1051 = arith.index_cast %get3A_1050 : i32 to index
      %get3A_1052 = arith.constant 16 : index
      %get3A_1053 = tpu.vector_load %arg9[%get3A_1051, %get3A_1052] {strides = array<i32>} : memref<16x128xf32, #tpu.memory_space<vmem>>, vector<1x16xf32>,
      %get3A_1054 = vector.shape_cast %get3A_1053 : vector<1x16xf32> to vector<16xf32>
      %get3A_1055 = arith.constant 15 : i32
      %get3A_1056 = arith.index_cast %get3A_1055 : i32 to index
      %get3A_1057 = arith.constant 16 : index
      %get3A_1058 = tpu.vector_load %arg10[%get3A_1056, %get3A_1057] {strides = array<i32>} : memref<16x128xf32, #tpu.memory_space<vmem>>, vector<1x16xf32>,
      %get3A_1059 = vector.shape_cast %get3A_1058 : vector<1x16xf32> to vector<16xf32>
      %add3A_1060 = arith.addf %get3A_1054, %get3A_1059 : vector<16xf32>
      %swap3A_1061 = arith.constant 15 : i32
      %swap3A_1062 = arith.index_cast %swap3A_1061 : i32 to index
      %swap3A_1063 = arith.constant 16 : index
      %swap3A_1064 = tpu.vector_load %arg9[%swap3A_1062, %swap3A_1063] {strides = array<i32>} : memref<16x128xf32, #tpu.memory_space<vmem>>, vector<1x16xf32>,
      %swap3A_1065 = vector.shape_cast %swap3A_1064 : vector<1x16xf32> to vector<16xf32>
      %swap3A_1066 = vector.shape_cast %add3A_1060 : vector<16xf32> to vector<1x16xf32>
      tpu.vector_store %arg9[%swap3A_1062, %swap3A_1063], %swap3A_1066 {strides = array<i32>} : memref<16x128xf32, #tpu.memory_space<vmem>>, vector<1x16xf32>,
      %get3A_1067 = arith.constant 15 : i32
      %get3A_1068 = arith.index_cast %get3A_1067 : i32 to index
      %get3A_1069 = arith.constant 32 : index
      %get3A_1070 = tpu.vector_load %arg9[%get3A_1068, %get3A_1069] {strides = array<i32>} : memref<16x128xf32, #tpu.memory_space<vmem>>, vector<1x16xf32>,
      %get3A_1071 = vector.shape_cast %get3A_1070 : vector<1x16xf32> to vector<16xf32>
      %get3A_1072 = arith.constant 15 : i32
      %get3A_1073 = arith.index_cast %get3A_1072 : i32 to index
      %get3A_1074 = arith.constant 32 : index
      %get3A_1075 = tpu.vector_load %arg10[%get3A_1073, %get3A_1074] {strides = array<i32>} : memref<16x128xf32, #tpu.memory_space<vmem>>, vector<1x16xf32>,
      %get3A_1076 = vector.shape_cast %get3A_1075 : vector<1x16xf32> to vector<16xf32>
      %add3A_1077 = arith.addf %get3A_1071, %get3A_1076 : vector<16xf32>
      %swap3A_1078 = arith.constant 15 : i32
      %swap3A_1079 = arith.index_cast %swap3A_1078 : i32 to index
      %swap3A_1080 = arith.constant 32 : index
      %swap3A_1081 = tpu.vector_load %arg9[%swap3A_1079, %swap3A_1080] {strides = array<i32>} : memref<16x128xf32, #tpu.memory_space<vmem>>, vector<1x16xf32>,
      %swap3A_1082 = vector.shape_cast %swap3A_1081 : vector<1x16xf32> to vector<16xf32>
      %swap3A_1083 = vector.shape_cast %add3A_1077 : vector<16xf32> to vector<1x16xf32>
      tpu.vector_store %arg9[%swap3A_1079, %swap3A_1080], %swap3A_1083 {strides = array<i32>} : memref<16x128xf32, #tpu.memory_space<vmem>>, vector<1x16xf32>,
      %get3A_1084 = arith.constant 15 : i32
      %get3A_1085 = arith.index_cast %get3A_1084 : i32 to index
      %get3A_1086 = arith.constant 48 : index
      %get3A_1087 = tpu.vector_load %arg9[%get3A_1085, %get3A_1086] {strides = array<i32>} : memref<16x128xf32, #tpu.memory_space<vmem>>, vector<1x16xf32>,
      %get3A_1088 = vector.shape_cast %get3A_1087 : vector<1x16xf32> to vector<16xf32>
      %get3A_1089 = arith.constant 15 : i32
      %get3A_1090 = arith.index_cast %get3A_1089 : i32 to index
      %get3A_1091 = arith.constant 48 : index
      %get3A_1092 = tpu.vector_load %arg10[%get3A_1090, %get3A_1091] {strides = array<i32>} : memref<16x128xf32, #tpu.memory_space<vmem>>, vector<1x16xf32>,
      %get3A_1093 = vector.shape_cast %get3A_1092 : vector<1x16xf32> to vector<16xf32>
      %add3A_1094 = arith.addf %get3A_1088, %get3A_1093 : vector<16xf32>
      %swap3A_1095 = arith.constant 15 : i32
      %swap3A_1096 = arith.index_cast %swap3A_1095 : i32 to index
      %swap3A_1097 = arith.constant 48 : index
      %swap3A_1098 = tpu.vector_load %arg9[%swap3A_1096, %swap3A_1097] {strides = array<i32>} : memref<16x128xf32, #tpu.memory_space<vmem>>, vector<1x16xf32>,
      %swap3A_1099 = vector.shape_cast %swap3A_1098 : vector<1x16xf32> to vector<16xf32>
      %swap3A_1100 = vector.shape_cast %add3A_1094 : vector<16xf32> to vector<1x16xf32>
      tpu.vector_store %arg9[%swap3A_1096, %swap3A_1097], %swap3A_1100 {strides = array<i32>} : memref<16x128xf32, #tpu.memory_space<vmem>>, vector<1x16xf32>,
      "tpu.region"() ({
        %run_scoped3A = tpu.sem_alloc : memref<!tpu.dma_semaphore, #tpu.memory_space<semaphore_mem>>
        %dma_start3A_1101 = arith.constant 0 : i32
        %dma_start3A_1102 = tpu.memref_slice %arg6[%mul3A_4, %dma_start3A_1101] : memref<384x128xf32, #tpu.memory_space<hbm>> -> memref<16x128xf32, #tpu.memory_space<hbm>>
        %dma_start3A_1103 = arith.constant 0 : i32
        %dma_start3A_1104 = tpu.memref_slice %arg6[%mul3A_4, %dma_start3A_1103] : memref<384x128xf32, #tpu.memory_space<hbm>> -> memref<16x128xf32, #tpu.memory_space<hbm>>
        tpu.enqueue_dma source(%arg9 : memref<16x128xf32, #tpu.memory_space<vmem>>) target(%dma_start3A_1104 : memref<16x128xf32, #tpu.memory_space<hbm>>) target_semaphore(%run_scoped3A : memref<!tpu.dma_semaphore, #tpu.memory_space<semaphore_mem>>)
        %dma_wait3A_1105 = arith.constant 0 : i32
        %dma_wait3A_1106 = tpu.memref_slice %arg6[%mul3A_4, %dma_wait3A_1105] : memref<384x128xf32, #tpu.memory_space<hbm>> -> memref<16x128xf32, #tpu.memory_space<hbm>>
        %dma_wait3A_1107 = arith.constant 0 : i32
        %dma_wait3A_1108 = tpu.memref_slice %arg6[%mul3A_4, %dma_wait3A_1107] : memref<384x128xf32, #tpu.memory_space<hbm>> -> memref<16x128xf32, #tpu.memory_space<hbm>>
        tpu.wait_dma2 semaphore(%run_scoped3A : memref<!tpu.dma_semaphore, #tpu.memory_space<semaphore_mem>>) src(%arg9 : memref<16x128xf32, #tpu.memory_space<vmem>>) dst(%dma_wait3A_1108 : memref<16x128xf32, #tpu.memory_space<hbm>>)
        tpu.yield
      }) : () -> ()
    } else {
    }
    return
  }
}

module attributes {stable_mosaic.version = 14 : i64} {
  func.func @_project_body(%arg0: memref<64x2048xf32, #tpu.memory_space<vmem>>, %arg1: memref<64x64xf32, #tpu.memory_space<vmem>>, %arg2: memref<32x288xf32, #tpu.memory_space<vmem>>, %arg3: memref<32x64xf32, #tpu.memory_space<vmem>>, %arg4: memref<7x8xf32, #tpu.memory_space<vmem>>, %arg5: memref<8x64xf32, #tpu.memory_space<vmem>>, %arg6: memref<1x64xf32, #tpu.memory_space<vmem>>, %arg7: memref<1x64xf32, #tpu.memory_space<vmem>>, %arg8: memref<1x64xf32, #tpu.memory_space<vmem>>, %arg9: memref<1x64xf32, #tpu.memory_space<vmem>>, %arg10: memref<288x128xf32, #tpu.memory_space<vmem>>, %arg11: memref<8x128xf32, #tpu.memory_space<vmem>>, %arg12: memref<64x2048xf32, #tpu.memory_space<vmem>>, %arg13: memref<64x2048xf32, #tpu.memory_space<vmem>>, %arg14: memref<1x2048xf32, #tpu.memory_space<vmem>>, %arg15: memref<1x2048xf32, #tpu.memory_space<vmem>>, %arg16: memref<1x64xf32, #tpu.memory_space<vmem>>, %arg17: memref<64x1xf32, #tpu.memory_space<vmem>>, %arg18: memref<64x1xf32, #tpu.memory_space<vmem>>, %arg19: memref<1x1xf32, #tpu.memory_space<vmem>>) attributes {dimension_semantics = [], scalar_prefetch = 0 : i64, scratch_operands = 0 : i64, tpu.core_type = #tpu.core_type<tc>} {
    %get3A = arith.constant 0 : index
    %get3A_0 = arith.constant 0 : index
    %get3A_1 = vector.load %arg1[%get3A, %get3A_0] : memref<64x64xf32, #tpu.memory_space<vmem>>, vector<64x64xf32>
    %get3A_2 = arith.constant 0 : index
    %get3A_3 = arith.constant 0 : index
    %get3A_4 = vector.load %arg0[%get3A_2, %get3A_3] : memref<64x2048xf32, #tpu.memory_space<vmem>>, vector<64x2048xf32>
    %dot_general3A = arith.constant dense<0.000000e+00> : vector<64x2048xf32>
    %dot_general3A_5 = tpu.matmul %get3A_1, %get3A_4, %dot_general3A {dimension_numbers = #tpu.dot_dimension_numbers<[0], [0], [1], [1], [0, 1, 1, 1], [], []>, transpose_lhs_hint = false} : vector<64x64xf32>, vector<64x2048xf32>, vector<64x2048xf32> -> vector<64x2048xf32>
    %reduce_sum3A = arith.constant dense<0.000000e+00> : vector<2048xf32>
    %reduce_sum3A_6 = vector.multi_reduction <add>, %dot_general3A_5, %reduce_sum3A [0] : vector<64x2048xf32> to vector<2048xf32>
    %broadcast_in_dim3A = vector.shape_cast %reduce_sum3A_6 : vector<2048xf32> to vector<1x2048xf32>
    %div3A = arith.constant 6.400000e+01 : f32
    %div3A_7 = vector.broadcast %div3A : f32 to vector<1x2048xf32>
    %div3A_8 = arith.divf %broadcast_in_dim3A, %div3A_7 : vector<1x2048xf32>
    %sub3A = vector.broadcast %div3A_8 : vector<1x2048xf32> to vector<64x2048xf32>
    %sub3A_9 = arith.subf %dot_general3A_5, %sub3A : vector<64x2048xf32>
    %swap3A = arith.constant 0 : index
    %swap3A_10 = arith.constant 0 : index
    %swap3A_11 = vector.load %arg12[%swap3A, %swap3A_10] : memref<64x2048xf32, #tpu.memory_space<vmem>>, vector<64x2048xf32>
    tpu.vector_store %arg12[%swap3A, %swap3A_10], %sub3A_9 {strides = array<i32>} : memref<64x2048xf32, #tpu.memory_space<vmem>>, vector<64x2048xf32>,
    %get3A_12 = arith.constant 0 : index
    %get3A_13 = arith.constant 0 : index
    %get3A_14 = vector.load %arg8[%get3A_12, %get3A_13] : memref<1x64xf32, #tpu.memory_space<vmem>>, vector<1x64xf32>
    %reshape3A = vector.shape_cast %get3A_14 : vector<1x64xf32> to vector<64x1xf32>
    %mul3A = vector.broadcast %reshape3A : vector<64x1xf32> to vector<64x2048xf32>
    %mul3A_15 = arith.mulf %sub3A_9, %mul3A : vector<64x2048xf32>
    %swap3A_16 = arith.constant 0 : index
    %swap3A_17 = arith.constant 0 : index
    %swap3A_18 = vector.load %arg13[%swap3A_16, %swap3A_17] : memref<64x2048xf32, #tpu.memory_space<vmem>>, vector<64x2048xf32>
    tpu.vector_store %arg13[%swap3A_16, %swap3A_17], %mul3A_15 {strides = array<i32>} : memref<64x2048xf32, #tpu.memory_space<vmem>>, vector<64x2048xf32>,
    %get3A_19 = arith.constant 0 : index
    %get3A_20 = arith.constant 0 : index
    %get3A_21 = vector.load %arg7[%get3A_19, %get3A_20] : memref<1x64xf32, #tpu.memory_space<vmem>>, vector<1x64xf32>
    %reduce_sum3A_22 = vector.shape_cast %get3A_21 : vector<1x64xf32> to vector<1x1x64xf32>
    %reduce_sum3A_23 = arith.constant dense<0.000000e+00> : vector<1xf32>
    %reduce_sum3A_24 = vector.multi_reduction <add>, %reduce_sum3A_22, %reduce_sum3A_23 [1, 2] : vector<1x1x64xf32> to vector<1xf32>
    %reduce_sum3A_25 = vector.shape_cast %reduce_sum3A_24 : vector<1xf32> to vector<1x1x1xf32>
    %reduce_sum3A_26 = vector.extract %reduce_sum3A_25[0, 0, 0] : f32 from vector<1x1x1xf32>
    %div3A_27 = arith.constant 6.400000e+01 : f32
    %div3A_28 = arith.divf %reduce_sum3A_26, %div3A_27 : f32
    %sub3A_29 = vector.broadcast %div3A_28 : f32 to vector<1x64xf32>
    %sub3A_30 = arith.subf %get3A_21, %sub3A_29 : vector<1x64xf32>
    %swap3A_31 = arith.constant 0 : index
    %swap3A_32 = arith.constant 0 : index
    %swap3A_33 = vector.load %arg16[%swap3A_31, %swap3A_32] : memref<1x64xf32, #tpu.memory_space<vmem>>, vector<1x64xf32>
    tpu.vector_store %arg16[%swap3A_31, %swap3A_32], %sub3A_30 {strides = array<i32>} : memref<1x64xf32, #tpu.memory_space<vmem>>, vector<1x64xf32>,
    %mul3A_34 = arith.mulf %sub3A_30, %get3A_14 : vector<1x64xf32>
    %reshape3A_35 = vector.shape_cast %mul3A_34 : vector<1x64xf32> to vector<64x1xf32>
    %swap3A_36 = arith.constant 0 : index
    %swap3A_37 = arith.constant 0 : index
    %swap3A_38 = vector.load %arg17[%swap3A_36, %swap3A_37] : memref<64x1xf32, #tpu.memory_space<vmem>>, vector<64x1xf32>
    tpu.vector_store %arg17[%swap3A_36, %swap3A_37], %reshape3A_35 {strides = array<i32>} : memref<64x1xf32, #tpu.memory_space<vmem>>, vector<64x1xf32>,
    %get3A_39 = arith.constant 0 : index
    %get3A_40 = arith.constant 0 : index
    %get3A_41 = vector.load %arg9[%get3A_39, %get3A_40] : memref<1x64xf32, #tpu.memory_space<vmem>>, vector<1x64xf32>
    %reshape3A_42 = vector.shape_cast %get3A_41 : vector<1x64xf32> to vector<64x1xf32>
    %swap3A_43 = arith.constant 0 : index
    %swap3A_44 = arith.constant 0 : index
    %swap3A_45 = vector.load %arg18[%swap3A_43, %swap3A_44] : memref<64x1xf32, #tpu.memory_space<vmem>>, vector<64x1xf32>
    tpu.vector_store %arg18[%swap3A_43, %swap3A_44], %reshape3A_42 {strides = array<i32>} : memref<64x1xf32, #tpu.memory_space<vmem>>, vector<64x1xf32>,
    %mul3A_46 = arith.mulf %sub3A_30, %sub3A_30 : vector<1x64xf32>
    %reduce_sum3A_47 = vector.shape_cast %mul3A_46 : vector<1x64xf32> to vector<1x1x64xf32>
    %reduce_sum3A_48 = arith.constant dense<0.000000e+00> : vector<1xf32>
    %reduce_sum3A_49 = vector.multi_reduction <add>, %reduce_sum3A_47, %reduce_sum3A_48 [1, 2] : vector<1x1x64xf32> to vector<1xf32>
    %reduce_sum3A_50 = vector.shape_cast %reduce_sum3A_49 : vector<1xf32> to vector<1x1x1xf32>
    %reduce_sum3A_51 = vector.extract %reduce_sum3A_50[0, 0, 0] : f32 from vector<1x1x1xf32>
    %div3A_52 = arith.constant 6.400000e+01 : f32
    %div3A_53 = arith.divf %reduce_sum3A_51, %div3A_52 : f32
    %reshape3A_54 = vector.broadcast %div3A_53 : f32 to vector<1x1xf32>
    %swap3A_55 = arith.constant 0 : index
    %swap3A_56 = arith.constant 0 : index
    %swap3A_57 = vector.load %arg19[%swap3A_55, %swap3A_56] : memref<1x1xf32, #tpu.memory_space<vmem>>, vector<1x1xf32>
    tpu.vector_store %arg19[%swap3A_55, %swap3A_56], %reshape3A_54 {strides = array<i32>} : memref<1x1xf32, #tpu.memory_space<vmem>>, vector<1x1xf32>,
    %dot_general3A_58 = arith.constant dense<0.000000e+00> : vector<1x2048xf32>
    %dot_general3A_59 = tpu.matmul %sub3A_30, %sub3A_9, %dot_general3A_58 {dimension_numbers = #tpu.dot_dimension_numbers<[1], [0], [0], [1], [0, 0, 1, 1], [], []>, transpose_lhs_hint = false} : vector<1x64xf32>, vector<64x2048xf32>, vector<1x2048xf32> -> vector<1x2048xf32>
    %mul3A_60 = arith.constant 1.562500e-02 : f32
    %mul3A_61 = vector.broadcast %mul3A_60 : f32 to vector<1x2048xf32>
    %mul3A_62 = arith.mulf %dot_general3A_59, %mul3A_61 : vector<1x2048xf32>
    %swap3A_63 = arith.constant 0 : index
    %swap3A_64 = arith.constant 0 : index
    %swap3A_65 = vector.load %arg14[%swap3A_63, %swap3A_64] : memref<1x2048xf32, #tpu.memory_space<vmem>>, vector<1x2048xf32>
    tpu.vector_store %arg14[%swap3A_63, %swap3A_64], %mul3A_62 {strides = array<i32>} : memref<1x2048xf32, #tpu.memory_space<vmem>>, vector<1x2048xf32>,
    %broadcast_in_dim3A_66 = arith.constant 1.000000e+00 : f32
    %broadcast_in_dim3A_67 = vector.broadcast %broadcast_in_dim3A_66 : f32 to vector<1x64xf32>
    %mul3A_68 = arith.mulf %sub3A_9, %sub3A_9 : vector<64x2048xf32>
    %dot_general3A_69 = arith.constant dense<0.000000e+00> : vector<1x2048xf32>
    %dot_general3A_70 = tpu.matmul %broadcast_in_dim3A_67, %mul3A_68, %dot_general3A_69 {dimension_numbers = #tpu.dot_dimension_numbers<[1], [0], [0], [1], [0, 0, 1, 1], [], []>, transpose_lhs_hint = false} : vector<1x64xf32>, vector<64x2048xf32>, vector<1x2048xf32> -> vector<1x2048xf32>
    %mul3A_71 = arith.constant 1.562500e-02 : f32
    %mul3A_72 = vector.broadcast %mul3A_71 : f32 to vector<1x2048xf32>
    %mul3A_73 = arith.mulf %dot_general3A_70, %mul3A_72 : vector<1x2048xf32>
    %swap3A_74 = arith.constant 0 : index
    %swap3A_75 = arith.constant 0 : index
    %swap3A_76 = vector.load %arg15[%swap3A_74, %swap3A_75] : memref<1x2048xf32, #tpu.memory_space<vmem>>, vector<1x2048xf32>
    tpu.vector_store %arg15[%swap3A_74, %swap3A_75], %mul3A_73 {strides = array<i32>} : memref<1x2048xf32, #tpu.memory_space<vmem>>, vector<1x2048xf32>,
    %get3A_77 = arith.constant 0 : index
    %get3A_78 = arith.constant 0 : index
    %get3A_79 = vector.load %arg2[%get3A_77, %get3A_78] : memref<32x288xf32, #tpu.memory_space<vmem>>, vector<32x288xf32>
    %get3A_80 = arith.constant 0 : index
    %get3A_81 = arith.constant 0 : index
    %get3A_82 = vector.load %arg3[%get3A_80, %get3A_81] : memref<32x64xf32, #tpu.memory_space<vmem>>, vector<32x64xf32>
    %dot_general3A_83 = arith.constant dense<0.000000e+00> : vector<288x64xf32>
    %dot_general3A_84 = tpu.matmul %get3A_79, %get3A_82, %dot_general3A_83 {dimension_numbers = #tpu.dot_dimension_numbers<[0], [0], [1], [1], [0, 1, 1, 1], [], []>, transpose_lhs_hint = false} : vector<32x288xf32>, vector<32x64xf32>, vector<288x64xf32> -> vector<288x64xf32>
    %broadcast_in_dim3A_85 = arith.constant 0.000000e+00 : f32
    %broadcast_in_dim3A_86 = vector.broadcast %broadcast_in_dim3A_85 : f32 to vector<288x64xf32>
    %concatenate3A = tpu.concatenate %dot_general3A_84, %broadcast_in_dim3A_86 in 1 : vector<288x64xf32>, vector<288x64xf32> -> vector<288x128xf32>
    %swap3A_87 = arith.constant 0 : index
    %swap3A_88 = arith.constant 0 : index
    %swap3A_89 = vector.load %arg10[%swap3A_87, %swap3A_88] : memref<288x128xf32, #tpu.memory_space<vmem>>, vector<288x128xf32>
    tpu.vector_store %arg10[%swap3A_87, %swap3A_88], %concatenate3A {strides = array<i32>} : memref<288x128xf32, #tpu.memory_space<vmem>>, vector<288x128xf32>,
    %get3A_90 = arith.constant 0 : index
    %get3A_91 = arith.constant 0 : index
    %get3A_92 = vector.load %arg4[%get3A_90, %get3A_91] : memref<7x8xf32, #tpu.memory_space<vmem>>, vector<7x8xf32>
    %get3A_93 = arith.constant 0 : index
    %get3A_94 = arith.constant 0 : index
    %get3A_95 = vector.load %arg5[%get3A_93, %get3A_94] : memref<8x64xf32, #tpu.memory_space<vmem>>, vector<8x64xf32>
    %dot_general3A_96 = arith.constant dense<0.000000e+00> : vector<7x64xf32>
    %dot_general3A_97 = tpu.matmul %get3A_92, %get3A_95, %dot_general3A_96 {dimension_numbers = #tpu.dot_dimension_numbers<[1], [0], [0], [1], [0, 0, 1, 1], [], []>, transpose_lhs_hint = false} : vector<7x8xf32>, vector<8x64xf32>, vector<7x64xf32> -> vector<7x64xf32>
    %get3A_98 = arith.constant 0 : index
    %get3A_99 = arith.constant 0 : index
    %get3A_100 = vector.load %arg6[%get3A_98, %get3A_99] : memref<1x64xf32, #tpu.memory_space<vmem>>, vector<1x64xf32>
    %add3A = vector.broadcast %get3A_100 : vector<1x64xf32> to vector<7x64xf32>
    %add3A_101 = arith.addf %dot_general3A_97, %add3A : vector<7x64xf32>
    %broadcast_in_dim3A_102 = arith.constant 0.000000e+00 : f32
    %broadcast_in_dim3A_103 = vector.broadcast %broadcast_in_dim3A_102 : f32 to vector<1x64xf32>
    %concatenate3A_104 = tpu.concatenate %add3A_101, %broadcast_in_dim3A_103 in 0 : vector<7x64xf32>, vector<1x64xf32> -> vector<8x64xf32>
    %broadcast_in_dim3A_105 = arith.constant 0.000000e+00 : f32
    %broadcast_in_dim3A_106 = vector.broadcast %broadcast_in_dim3A_105 : f32 to vector<8x64xf32>
    %concatenate3A_107 = tpu.concatenate %concatenate3A_104, %broadcast_in_dim3A_106 in 1 : vector<8x64xf32>, vector<8x64xf32> -> vector<8x128xf32>
    %swap3A_108 = arith.constant 0 : index
    %swap3A_109 = arith.constant 0 : index
    %swap3A_110 = vector.load %arg11[%swap3A_108, %swap3A_109] : memref<8x128xf32, #tpu.memory_space<vmem>>, vector<8x128xf32>
    tpu.vector_store %arg11[%swap3A_108, %swap3A_109], %concatenate3A_107 {strides = array<i32>} : memref<8x128xf32, #tpu.memory_space<vmem>>, vector<8x128xf32>,
    return
  }
}

module attributes {stable_mosaic.version = 14 : i64} {
  func.func @_main_body(%arg0: i32, %arg1: i32, %arg2: memref<2x6x1x2048xf32, #tpu.memory_space<vmem>>, %arg3: memref<2x6x1x128xf32, #tpu.memory_space<vmem>>, %arg4: memref<64x2048xf32, #tpu.memory_space<vmem>>, %arg5: memref<64x2048xf32, #tpu.memory_space<vmem>>, %arg6: memref<1x2048xf32, #tpu.memory_space<vmem>>, %arg7: memref<1x2048xf32, #tpu.memory_space<vmem>>, %arg8: memref<1x64xf32, #tpu.memory_space<vmem>>, %arg9: memref<64x1xf32, #tpu.memory_space<vmem>>, %arg10: memref<64x1xf32, #tpu.memory_space<vmem>>, %arg11: memref<1x1xf32, #tpu.memory_space<vmem>>, %arg12: memref<1x64xf32, #tpu.memory_space<vmem>>, %arg13: memref<2x6x64x2048xf32, #tpu.memory_space<vmem>>) attributes {dimension_semantics = [#tpu.dimension_semantics<arbitrary>, #tpu.dimension_semantics<arbitrary>], iteration_bounds = array<i64: 16, 2>, scalar_prefetch = 0 : i64, scratch_operands = 0 : i64, tpu.core_type = #tpu.core_type<tc>, window_params = [{transform_indices = @transform_0, window_bounds = array<i64: 2, 6, 1, 2048>}, {transform_indices = @transform_1, window_bounds = array<i64: 2, 6, 1, 128>}, {pipeline_mode = #tpu.pipeline_mode<synchronous>, transform_indices = @transform_2, window_bounds = array<i64: 64, 2048>}, {pipeline_mode = #tpu.pipeline_mode<synchronous>, transform_indices = @transform_3, window_bounds = array<i64: 64, 2048>}, {pipeline_mode = #tpu.pipeline_mode<synchronous>, transform_indices = @transform_4, window_bounds = array<i64: 1, 2048>}, {pipeline_mode = #tpu.pipeline_mode<synchronous>, transform_indices = @transform_5, window_bounds = array<i64: 1, 2048>}, {pipeline_mode = #tpu.pipeline_mode<synchronous>, transform_indices = @transform_6, window_bounds = array<i64: 1, 64>}, {pipeline_mode = #tpu.pipeline_mode<synchronous>, transform_indices = @transform_7, window_bounds = array<i64: 64, 1>}, {pipeline_mode = #tpu.pipeline_mode<synchronous>, transform_indices = @transform_8, window_bounds = array<i64: 64, 1>}, {pipeline_mode = #tpu.pipeline_mode<synchronous>, transform_indices = @transform_9, window_bounds = array<i64: 1, 1>}, {pipeline_mode = #tpu.pipeline_mode<synchronous>, transform_indices = @transform_10, window_bounds = array<i64: 1, 64>}, {transform_indices = @transform_11, window_bounds = array<i64: 2, 6, 64, 2048>}]} {
    %get3A = arith.constant 0 : index
    %get3A_0 = arith.constant 0 : index
    %get3A_1 = arith.constant 0 : index
    %get3A_2 = arith.constant 0 : index
    %get3A_3 = vector.load %arg2[%get3A, %get3A_0, %get3A_1, %get3A_2] : memref<2x6x1x2048xf32, #tpu.memory_space<vmem>>, vector<2x6x1x2048xf32>
    %get3A_4 = vector.shape_cast %get3A_3 : vector<2x6x1x2048xf32> to vector<2x6x2048xf32>
    %reshape3A = vector.shape_cast %get3A_4 : vector<2x6x2048xf32> to vector<12x2048xf32>
    %get3A_5 = arith.constant 0 : index
    %get3A_6 = arith.constant 0 : index
    %get3A_7 = arith.constant 0 : index
    %get3A_8 = arith.constant 0 : index
    %get3A_9 = vector.load %arg3[%get3A_5, %get3A_6, %get3A_7, %get3A_8] : memref<2x6x1x128xf32, #tpu.memory_space<vmem>>, vector<2x6x1x64xf32>
    %get3A_10 = vector.shape_cast %get3A_9 : vector<2x6x1x64xf32> to vector<2x6x64xf32>
    %reshape3A_11 = vector.shape_cast %get3A_10 : vector<2x6x64xf32> to vector<12x64xf32>
    %reduce_sum3A = arith.constant dense<0.000000e+00> : vector<12xf32>
    %reduce_sum3A_12 = vector.multi_reduction <add>, %reshape3A_11, %reduce_sum3A [1] : vector<12x64xf32> to vector<12xf32>
    %broadcast_in_dim3A = vector.shape_cast %reduce_sum3A_12 : vector<12xf32> to vector<12x1xf32>
    %div3A = arith.constant 6.400000e+01 : f32
    %div3A_13 = vector.broadcast %div3A : f32 to vector<12x1xf32>
    %div3A_14 = arith.divf %broadcast_in_dim3A, %div3A_13 : vector<12x1xf32>
    %sub3A = vector.broadcast %div3A_14 : vector<12x1xf32> to vector<12x64xf32>
    %sub3A_15 = arith.subf %reshape3A_11, %sub3A : vector<12x64xf32>
    %get3A_16 = arith.constant 0 : index
    %get3A_17 = arith.constant 0 : index
    %get3A_18 = vector.load %arg8[%get3A_16, %get3A_17] : memref<1x64xf32, #tpu.memory_space<vmem>>, vector<1x64xf32>
    %mul3A = vector.broadcast %get3A_18 : vector<1x64xf32> to vector<12x64xf32>
    %mul3A_19 = arith.mulf %sub3A_15, %mul3A : vector<12x64xf32>
    %reduce_sum3A_20 = arith.constant dense<0.000000e+00> : vector<12xf32>
    %reduce_sum3A_21 = vector.multi_reduction <add>, %mul3A_19, %reduce_sum3A_20 [1] : vector<12x64xf32> to vector<12xf32>
    %broadcast_in_dim3A_22 = vector.shape_cast %reduce_sum3A_21 : vector<12xf32> to vector<12x1xf32>
    %div3A_23 = arith.constant 6.400000e+01 : f32
    %div3A_24 = vector.broadcast %div3A_23 : f32 to vector<12x1xf32>
    %div3A_25 = arith.divf %broadcast_in_dim3A_22, %div3A_24 : vector<12x1xf32>
    %mul3A_26 = arith.mulf %sub3A_15, %sub3A_15 : vector<12x64xf32>
    %reduce_sum3A_27 = arith.constant dense<0.000000e+00> : vector<12xf32>
    %reduce_sum3A_28 = vector.multi_reduction <add>, %mul3A_26, %reduce_sum3A_27 [1] : vector<12x64xf32> to vector<12xf32>
    %broadcast_in_dim3A_29 = vector.shape_cast %reduce_sum3A_28 : vector<12xf32> to vector<12x1xf32>
    %div3A_30 = arith.constant 6.400000e+01 : f32
    %div3A_31 = vector.broadcast %div3A_30 : f32 to vector<12x1xf32>
    %div3A_32 = arith.divf %broadcast_in_dim3A_29, %div3A_31 : vector<12x1xf32>
    %get3A_33 = arith.constant 0 : index
    %get3A_34 = arith.constant 0 : index
    %get3A_35 = vector.load %arg4[%get3A_33, %get3A_34] : memref<64x2048xf32, #tpu.memory_space<vmem>>, vector<64x2048xf32>
    %dot_general3A = arith.constant dense<0.000000e+00> : vector<12x2048xf32>
    %dot_general3A_36 = tpu.matmul %sub3A_15, %get3A_35, %dot_general3A {dimension_numbers = #tpu.dot_dimension_numbers<[1], [0], [0], [1], [0, 0, 1, 1], [], []>, transpose_lhs_hint = false} : vector<12x64xf32>, vector<64x2048xf32>, vector<12x2048xf32> -> vector<12x2048xf32>
    %mul3A_37 = arith.constant 1.562500e-02 : f32
    %mul3A_38 = vector.broadcast %mul3A_37 : f32 to vector<12x2048xf32>
    %mul3A_39 = arith.mulf %dot_general3A_36, %mul3A_38 : vector<12x2048xf32>
    %get3A_40 = arith.constant 0 : index
    %get3A_41 = arith.constant 0 : index
    %get3A_42 = vector.load %arg11[%get3A_40, %get3A_41] : memref<1x1xf32, #tpu.memory_space<vmem>>, vector<1x1xf32>
    %get3A_43 = vector.extract %get3A_42[0, 0] : f32 from vector<1x1xf32>
    %mul3A_44 = vector.broadcast %get3A_43 : f32 to vector<12x2048xf32>
    %mul3A_45 = arith.mulf %mul3A_44, %reshape3A : vector<12x2048xf32>
    %mul3A_46 = arith.mulf %mul3A_45, %reshape3A : vector<12x2048xf32>
    %get3A_47 = arith.constant 0 : index
    %get3A_48 = arith.constant 0 : index
    %get3A_49 = vector.load %arg6[%get3A_47, %get3A_48] : memref<1x2048xf32, #tpu.memory_space<vmem>>, vector<1x2048xf32>
    %mul3A_50 = arith.constant 2.000000e+00 : f32
    %mul3A_51 = vector.broadcast %mul3A_50 : f32 to vector<1x2048xf32>
    %mul3A_52 = arith.mulf %mul3A_51, %get3A_49 : vector<1x2048xf32>
    %mul3A_53 = arith.constant 2.000000e+00 : f32
    %mul3A_54 = vector.broadcast %mul3A_53 : f32 to vector<12x1xf32>
    %mul3A_55 = arith.mulf %mul3A_54, %div3A_25 : vector<12x1xf32>
    %add3A = vector.broadcast %mul3A_52 : vector<1x2048xf32> to vector<12x2048xf32>
    %add3A_56 = vector.broadcast %mul3A_55 : vector<12x1xf32> to vector<12x2048xf32>
    %add3A_57 = arith.addf %add3A, %add3A_56 : vector<12x2048xf32>
    %mul3A_58 = arith.mulf %add3A_57, %reshape3A : vector<12x2048xf32>
    %add3A_59 = arith.addf %mul3A_46, %mul3A_58 : vector<12x2048xf32>
    %get3A_60 = arith.constant 0 : index
    %get3A_61 = arith.constant 0 : index
    %get3A_62 = vector.load %arg7[%get3A_60, %get3A_61] : memref<1x2048xf32, #tpu.memory_space<vmem>>, vector<1x2048xf32>
    %add3A_63 = vector.broadcast %get3A_62 : vector<1x2048xf32> to vector<12x2048xf32>
    %add3A_64 = arith.addf %add3A_59, %add3A_63 : vector<12x2048xf32>
    %mul3A_65 = arith.constant 2.000000e+00 : f32
    %mul3A_66 = vector.broadcast %mul3A_65 : f32 to vector<12x2048xf32>
    %mul3A_67 = arith.mulf %mul3A_66, %mul3A_39 : vector<12x2048xf32>
    %add3A_68 = arith.addf %add3A_64, %mul3A_67 : vector<12x2048xf32>
    %add3A_69 = vector.broadcast %div3A_32 : vector<12x1xf32> to vector<12x2048xf32>
    %add3A_70 = arith.addf %add3A_68, %add3A_69 : vector<12x2048xf32>
    %add3A_71 = arith.constant 9.99999974E-6 : f32
    %add3A_72 = vector.broadcast %add3A_71 : f32 to vector<12x2048xf32>
    %add3A_73 = arith.addf %add3A_70, %add3A_72 : vector<12x2048xf32>
    %rsqrt3A = math.rsqrt %add3A_73 : vector<12x2048xf32>
    %mul3A_74 = arith.mulf %rsqrt3A, %reshape3A : vector<12x2048xf32>
    %get3A_75 = arith.constant 0 : index
    %get3A_76 = arith.constant 0 : index
    %get3A_77 = vector.load %arg12[%get3A_75, %get3A_76] : memref<1x64xf32, #tpu.memory_space<vmem>>, vector<1x64xf32>
    %mul3A_78 = vector.broadcast %get3A_77 : vector<1x64xf32> to vector<12x64xf32>
    %mul3A_79 = arith.mulf %sub3A_15, %mul3A_78 : vector<12x64xf32>
    %get3A_80 = arith.constant 0 : index
    %get3A_81 = arith.constant 0 : index
    %get3A_82 = vector.load %arg5[%get3A_80, %get3A_81] : memref<64x2048xf32, #tpu.memory_space<vmem>>, vector<64x2048xf32>
    %get3A_83 = arith.constant 0 : index
    %get3A_84 = arith.constant 0 : index
    %get3A_85 = vector.load %arg9[%get3A_83, %get3A_84] : memref<64x1xf32, #tpu.memory_space<vmem>>, vector<64x1xf32>
    %get3A_86 = arith.constant 0 : index
    %get3A_87 = arith.constant 0 : index
    %get3A_88 = vector.load %arg10[%get3A_86, %get3A_87] : memref<64x1xf32, #tpu.memory_space<vmem>>, vector<64x1xf32>
    %broadcast_in_dim3A_89 = arith.constant 1.000000e+00 : f32
    %broadcast_in_dim3A_90 = vector.broadcast %broadcast_in_dim3A_89 : f32 to vector<1x2048xf32>
    %slice3A = vector.extract_strided_slice %mul3A_79 {offsets = [0, 0], sizes = [1, 64], strides = [1, 1]} : vector<12x64xf32> to vector<1x64xf32>
    %squeeze3A = vector.shape_cast %slice3A : vector<1x64xf32> to vector<64xf32>
    %reshape3A_91 = vector.shape_cast %squeeze3A : vector<64xf32> to vector<64x1xf32>
    %concatenate3A = tpu.concatenate %get3A_85, %reshape3A_91, %get3A_88 in 1 : vector<64x1xf32>, vector<64x1xf32>, vector<64x1xf32> -> vector<64x3xf32>
    %slice3A_92 = vector.extract_strided_slice %mul3A_74 {offsets = [0, 0], sizes = [1, 2048], strides = [1, 1]} : vector<12x2048xf32> to vector<1x2048xf32>
    %slice3A_93 = vector.extract_strided_slice %rsqrt3A {offsets = [0, 0], sizes = [1, 2048], strides = [1, 1]} : vector<12x2048xf32> to vector<1x2048xf32>
    %concatenate3A_94 = tpu.concatenate %slice3A_92, %slice3A_93, %broadcast_in_dim3A_90 in 0 : vector<1x2048xf32>, vector<1x2048xf32>, vector<1x2048xf32> -> vector<3x2048xf32>
    %dot_general3A_95 = arith.constant dense<0.000000e+00> : vector<64x2048xf32>
    %dot_general3A_96 = tpu.matmul %concatenate3A, %concatenate3A_94, %dot_general3A_95 {dimension_numbers = #tpu.dot_dimension_numbers<[1], [0], [0], [1], [0, 0, 1, 1], [], []>, transpose_lhs_hint = false} : vector<64x3xf32>, vector<3x2048xf32>, vector<64x2048xf32> -> vector<64x2048xf32>
    %slice3A_97 = vector.extract_strided_slice %rsqrt3A {offsets = [0, 0], sizes = [1, 2048], strides = [1, 1]} : vector<12x2048xf32> to vector<1x2048xf32>
    %mul3A_98 = vector.broadcast %slice3A_97 : vector<1x2048xf32> to vector<64x2048xf32>
    %mul3A_99 = arith.mulf %mul3A_98, %get3A_82 : vector<64x2048xf32>
    %add3A_100 = arith.addf %dot_general3A_96, %mul3A_99 : vector<64x2048xf32>
    %swap3A = arith.constant 0 : index
    %swap3A_101 = arith.constant 0 : index
    %swap3A_102 = arith.constant 0 : index
    %swap3A_103 = arith.constant 0 : index
    %swap3A_104 = vector.load %arg13[%swap3A, %swap3A_101, %swap3A_102, %swap3A_103] : memref<2x6x64x2048xf32, #tpu.memory_space<vmem>>, vector<1x1x64x2048xf32>
    %swap3A_105 = vector.shape_cast %swap3A_104 : vector<1x1x64x2048xf32> to vector<64x2048xf32>
    %swap3A_106 = vector.shape_cast %add3A_100 : vector<64x2048xf32> to vector<1x1x64x2048xf32>
    tpu.vector_store %arg13[%swap3A, %swap3A_101, %swap3A_102, %swap3A_103], %swap3A_106 {strides = array<i32>} : memref<2x6x64x2048xf32, #tpu.memory_space<vmem>>, vector<1x1x64x2048xf32>,
    %slice3A_107 = vector.extract_strided_slice %mul3A_79 {offsets = [1, 0], sizes = [1, 64], strides = [1, 1]} : vector<12x64xf32> to vector<1x64xf32>
    %squeeze3A_108 = vector.shape_cast %slice3A_107 : vector<1x64xf32> to vector<64xf32>
    %reshape3A_109 = vector.shape_cast %squeeze3A_108 : vector<64xf32> to vector<64x1xf32>
    %concatenate3A_110 = tpu.concatenate %get3A_85, %reshape3A_109, %get3A_88 in 1 : vector<64x1xf32>, vector<64x1xf32>, vector<64x1xf32> -> vector<64x3xf32>
    %slice3A_111 = vector.extract_strided_slice %mul3A_74 {offsets = [1, 0], sizes = [1, 2048], strides = [1, 1]} : vector<12x2048xf32> to vector<1x2048xf32>
    %slice3A_112 = vector.extract_strided_slice %rsqrt3A {offsets = [1, 0], sizes = [1, 2048], strides = [1, 1]} : vector<12x2048xf32> to vector<1x2048xf32>
    %concatenate3A_113 = tpu.concatenate %slice3A_111, %slice3A_112, %broadcast_in_dim3A_90 in 0 : vector<1x2048xf32>, vector<1x2048xf32>, vector<1x2048xf32> -> vector<3x2048xf32>
    %dot_general3A_114 = arith.constant dense<0.000000e+00> : vector<64x2048xf32>
    %dot_general3A_115 = tpu.matmul %concatenate3A_110, %concatenate3A_113, %dot_general3A_114 {dimension_numbers = #tpu.dot_dimension_numbers<[1], [0], [0], [1], [0, 0, 1, 1], [], []>, transpose_lhs_hint = false} : vector<64x3xf32>, vector<3x2048xf32>, vector<64x2048xf32> -> vector<64x2048xf32>
    %slice3A_116 = vector.extract_strided_slice %rsqrt3A {offsets = [1, 0], sizes = [1, 2048], strides = [1, 1]} : vector<12x2048xf32> to vector<1x2048xf32>
    %mul3A_117 = vector.broadcast %slice3A_116 : vector<1x2048xf32> to vector<64x2048xf32>
    %mul3A_118 = arith.mulf %mul3A_117, %get3A_82 : vector<64x2048xf32>
    %add3A_119 = arith.addf %dot_general3A_115, %mul3A_118 : vector<64x2048xf32>
    %swap3A_120 = arith.constant 0 : index
    %swap3A_121 = arith.constant 1 : index
    %swap3A_122 = arith.constant 0 : index
    %swap3A_123 = arith.constant 0 : index
    %swap3A_124 = vector.load %arg13[%swap3A_120, %swap3A_121, %swap3A_122, %swap3A_123] : memref<2x6x64x2048xf32, #tpu.memory_space<vmem>>, vector<1x1x64x2048xf32>
    %swap3A_125 = vector.shape_cast %swap3A_124 : vector<1x1x64x2048xf32> to vector<64x2048xf32>
    %swap3A_126 = vector.shape_cast %add3A_119 : vector<64x2048xf32> to vector<1x1x64x2048xf32>
    tpu.vector_store %arg13[%swap3A_120, %swap3A_121, %swap3A_122, %swap3A_123], %swap3A_126 {strides = array<i32>} : memref<2x6x64x2048xf32, #tpu.memory_space<vmem>>, vector<1x1x64x2048xf32>,
    %slice3A_127 = vector.extract_strided_slice %mul3A_79 {offsets = [2, 0], sizes = [1, 64], strides = [1, 1]} : vector<12x64xf32> to vector<1x64xf32>
    %squeeze3A_128 = vector.shape_cast %slice3A_127 : vector<1x64xf32> to vector<64xf32>
    %reshape3A_129 = vector.shape_cast %squeeze3A_128 : vector<64xf32> to vector<64x1xf32>
    %concatenate3A_130 = tpu.concatenate %get3A_85, %reshape3A_129, %get3A_88 in 1 : vector<64x1xf32>, vector<64x1xf32>, vector<64x1xf32> -> vector<64x3xf32>
    %slice3A_131 = vector.extract_strided_slice %mul3A_74 {offsets = [2, 0], sizes = [1, 2048], strides = [1, 1]} : vector<12x2048xf32> to vector<1x2048xf32>
    %slice3A_132 = vector.extract_strided_slice %rsqrt3A {offsets = [2, 0], sizes = [1, 2048], strides = [1, 1]} : vector<12x2048xf32> to vector<1x2048xf32>
    %concatenate3A_133 = tpu.concatenate %slice3A_131, %slice3A_132, %broadcast_in_dim3A_90 in 0 : vector<1x2048xf32>, vector<1x2048xf32>, vector<1x2048xf32> -> vector<3x2048xf32>
    %dot_general3A_134 = arith.constant dense<0.000000e+00> : vector<64x2048xf32>
    %dot_general3A_135 = tpu.matmul %concatenate3A_130, %concatenate3A_133, %dot_general3A_134 {dimension_numbers = #tpu.dot_dimension_numbers<[1], [0], [0], [1], [0, 0, 1, 1], [], []>, transpose_lhs_hint = false} : vector<64x3xf32>, vector<3x2048xf32>, vector<64x2048xf32> -> vector<64x2048xf32>
    %slice3A_136 = vector.extract_strided_slice %rsqrt3A {offsets = [2, 0], sizes = [1, 2048], strides = [1, 1]} : vector<12x2048xf32> to vector<1x2048xf32>
    %mul3A_137 = vector.broadcast %slice3A_136 : vector<1x2048xf32> to vector<64x2048xf32>
    %mul3A_138 = arith.mulf %mul3A_137, %get3A_82 : vector<64x2048xf32>
    %add3A_139 = arith.addf %dot_general3A_135, %mul3A_138 : vector<64x2048xf32>
    %swap3A_140 = arith.constant 0 : index
    %swap3A_141 = arith.constant 2 : index
    %swap3A_142 = arith.constant 0 : index
    %swap3A_143 = arith.constant 0 : index
    %swap3A_144 = vector.load %arg13[%swap3A_140, %swap3A_141, %swap3A_142, %swap3A_143] : memref<2x6x64x2048xf32, #tpu.memory_space<vmem>>, vector<1x1x64x2048xf32>
    %swap3A_145 = vector.shape_cast %swap3A_144 : vector<1x1x64x2048xf32> to vector<64x2048xf32>
    %swap3A_146 = vector.shape_cast %add3A_139 : vector<64x2048xf32> to vector<1x1x64x2048xf32>
    tpu.vector_store %arg13[%swap3A_140, %swap3A_141, %swap3A_142, %swap3A_143], %swap3A_146 {strides = array<i32>} : memref<2x6x64x2048xf32, #tpu.memory_space<vmem>>, vector<1x1x64x2048xf32>,
    %slice3A_147 = vector.extract_strided_slice %mul3A_79 {offsets = [3, 0], sizes = [1, 64], strides = [1, 1]} : vector<12x64xf32> to vector<1x64xf32>
    %squeeze3A_148 = vector.shape_cast %slice3A_147 : vector<1x64xf32> to vector<64xf32>
    %reshape3A_149 = vector.shape_cast %squeeze3A_148 : vector<64xf32> to vector<64x1xf32>
    %concatenate3A_150 = tpu.concatenate %get3A_85, %reshape3A_149, %get3A_88 in 1 : vector<64x1xf32>, vector<64x1xf32>, vector<64x1xf32> -> vector<64x3xf32>
    %slice3A_151 = vector.extract_strided_slice %mul3A_74 {offsets = [3, 0], sizes = [1, 2048], strides = [1, 1]} : vector<12x2048xf32> to vector<1x2048xf32>
    %slice3A_152 = vector.extract_strided_slice %rsqrt3A {offsets = [3, 0], sizes = [1, 2048], strides = [1, 1]} : vector<12x2048xf32> to vector<1x2048xf32>
    %concatenate3A_153 = tpu.concatenate %slice3A_151, %slice3A_152, %broadcast_in_dim3A_90 in 0 : vector<1x2048xf32>, vector<1x2048xf32>, vector<1x2048xf32> -> vector<3x2048xf32>
    %dot_general3A_154 = arith.constant dense<0.000000e+00> : vector<64x2048xf32>
    %dot_general3A_155 = tpu.matmul %concatenate3A_150, %concatenate3A_153, %dot_general3A_154 {dimension_numbers = #tpu.dot_dimension_numbers<[1], [0], [0], [1], [0, 0, 1, 1], [], []>, transpose_lhs_hint = false} : vector<64x3xf32>, vector<3x2048xf32>, vector<64x2048xf32> -> vector<64x2048xf32>
    %slice3A_156 = vector.extract_strided_slice %rsqrt3A {offsets = [3, 0], sizes = [1, 2048], strides = [1, 1]} : vector<12x2048xf32> to vector<1x2048xf32>
    %mul3A_157 = vector.broadcast %slice3A_156 : vector<1x2048xf32> to vector<64x2048xf32>
    %mul3A_158 = arith.mulf %mul3A_157, %get3A_82 : vector<64x2048xf32>
    %add3A_159 = arith.addf %dot_general3A_155, %mul3A_158 : vector<64x2048xf32>
    %swap3A_160 = arith.constant 0 : index
    %swap3A_161 = arith.constant 3 : index
    %swap3A_162 = arith.constant 0 : index
    %swap3A_163 = arith.constant 0 : index
    %swap3A_164 = vector.load %arg13[%swap3A_160, %swap3A_161, %swap3A_162, %swap3A_163] : memref<2x6x64x2048xf32, #tpu.memory_space<vmem>>, vector<1x1x64x2048xf32>
    %swap3A_165 = vector.shape_cast %swap3A_164 : vector<1x1x64x2048xf32> to vector<64x2048xf32>
    %swap3A_166 = vector.shape_cast %add3A_159 : vector<64x2048xf32> to vector<1x1x64x2048xf32>
    tpu.vector_store %arg13[%swap3A_160, %swap3A_161, %swap3A_162, %swap3A_163], %swap3A_166 {strides = array<i32>} : memref<2x6x64x2048xf32, #tpu.memory_space<vmem>>, vector<1x1x64x2048xf32>,
    %slice3A_167 = vector.extract_strided_slice %mul3A_79 {offsets = [4, 0], sizes = [1, 64], strides = [1, 1]} : vector<12x64xf32> to vector<1x64xf32>
    %squeeze3A_168 = vector.shape_cast %slice3A_167 : vector<1x64xf32> to vector<64xf32>
    %reshape3A_169 = vector.shape_cast %squeeze3A_168 : vector<64xf32> to vector<64x1xf32>
    %concatenate3A_170 = tpu.concatenate %get3A_85, %reshape3A_169, %get3A_88 in 1 : vector<64x1xf32>, vector<64x1xf32>, vector<64x1xf32> -> vector<64x3xf32>
    %slice3A_171 = vector.extract_strided_slice %mul3A_74 {offsets = [4, 0], sizes = [1, 2048], strides = [1, 1]} : vector<12x2048xf32> to vector<1x2048xf32>
    %slice3A_172 = vector.extract_strided_slice %rsqrt3A {offsets = [4, 0], sizes = [1, 2048], strides = [1, 1]} : vector<12x2048xf32> to vector<1x2048xf32>
    %concatenate3A_173 = tpu.concatenate %slice3A_171, %slice3A_172, %broadcast_in_dim3A_90 in 0 : vector<1x2048xf32>, vector<1x2048xf32>, vector<1x2048xf32> -> vector<3x2048xf32>
    %dot_general3A_174 = arith.constant dense<0.000000e+00> : vector<64x2048xf32>
    %dot_general3A_175 = tpu.matmul %concatenate3A_170, %concatenate3A_173, %dot_general3A_174 {dimension_numbers = #tpu.dot_dimension_numbers<[1], [0], [0], [1], [0, 0, 1, 1], [], []>, transpose_lhs_hint = false} : vector<64x3xf32>, vector<3x2048xf32>, vector<64x2048xf32> -> vector<64x2048xf32>
    %slice3A_176 = vector.extract_strided_slice %rsqrt3A {offsets = [4, 0], sizes = [1, 2048], strides = [1, 1]} : vector<12x2048xf32> to vector<1x2048xf32>
    %mul3A_177 = vector.broadcast %slice3A_176 : vector<1x2048xf32> to vector<64x2048xf32>
    %mul3A_178 = arith.mulf %mul3A_177, %get3A_82 : vector<64x2048xf32>
    %add3A_179 = arith.addf %dot_general3A_175, %mul3A_178 : vector<64x2048xf32>
    %swap3A_180 = arith.constant 0 : index
    %swap3A_181 = arith.constant 4 : index
    %swap3A_182 = arith.constant 0 : index
    %swap3A_183 = arith.constant 0 : index
    %swap3A_184 = vector.load %arg13[%swap3A_180, %swap3A_181, %swap3A_182, %swap3A_183] : memref<2x6x64x2048xf32, #tpu.memory_space<vmem>>, vector<1x1x64x2048xf32>
    %swap3A_185 = vector.shape_cast %swap3A_184 : vector<1x1x64x2048xf32> to vector<64x2048xf32>
    %swap3A_186 = vector.shape_cast %add3A_179 : vector<64x2048xf32> to vector<1x1x64x2048xf32>
    tpu.vector_store %arg13[%swap3A_180, %swap3A_181, %swap3A_182, %swap3A_183], %swap3A_186 {strides = array<i32>} : memref<2x6x64x2048xf32, #tpu.memory_space<vmem>>, vector<1x1x64x2048xf32>,
    %slice3A_187 = vector.extract_strided_slice %mul3A_79 {offsets = [5, 0], sizes = [1, 64], strides = [1, 1]} : vector<12x64xf32> to vector<1x64xf32>
    %squeeze3A_188 = vector.shape_cast %slice3A_187 : vector<1x64xf32> to vector<64xf32>
    %reshape3A_189 = vector.shape_cast %squeeze3A_188 : vector<64xf32> to vector<64x1xf32>
    %concatenate3A_190 = tpu.concatenate %get3A_85, %reshape3A_189, %get3A_88 in 1 : vector<64x1xf32>, vector<64x1xf32>, vector<64x1xf32> -> vector<64x3xf32>
    %slice3A_191 = vector.extract_strided_slice %mul3A_74 {offsets = [5, 0], sizes = [1, 2048], strides = [1, 1]} : vector<12x2048xf32> to vector<1x2048xf32>
    %slice3A_192 = vector.extract_strided_slice %rsqrt3A {offsets = [5, 0], sizes = [1, 2048], strides = [1, 1]} : vector<12x2048xf32> to vector<1x2048xf32>
    %concatenate3A_193 = tpu.concatenate %slice3A_191, %slice3A_192, %broadcast_in_dim3A_90 in 0 : vector<1x2048xf32>, vector<1x2048xf32>, vector<1x2048xf32> -> vector<3x2048xf32>
    %dot_general3A_194 = arith.constant dense<0.000000e+00> : vector<64x2048xf32>
    %dot_general3A_195 = tpu.matmul %concatenate3A_190, %concatenate3A_193, %dot_general3A_194 {dimension_numbers = #tpu.dot_dimension_numbers<[1], [0], [0], [1], [0, 0, 1, 1], [], []>, transpose_lhs_hint = false} : vector<64x3xf32>, vector<3x2048xf32>, vector<64x2048xf32> -> vector<64x2048xf32>
    %slice3A_196 = vector.extract_strided_slice %rsqrt3A {offsets = [5, 0], sizes = [1, 2048], strides = [1, 1]} : vector<12x2048xf32> to vector<1x2048xf32>
    %mul3A_197 = vector.broadcast %slice3A_196 : vector<1x2048xf32> to vector<64x2048xf32>
    %mul3A_198 = arith.mulf %mul3A_197, %get3A_82 : vector<64x2048xf32>
    %add3A_199 = arith.addf %dot_general3A_195, %mul3A_198 : vector<64x2048xf32>
    %swap3A_200 = arith.constant 0 : index
    %swap3A_201 = arith.constant 5 : index
    %swap3A_202 = arith.constant 0 : index
    %swap3A_203 = arith.constant 0 : index
    %swap3A_204 = vector.load %arg13[%swap3A_200, %swap3A_201, %swap3A_202, %swap3A_203] : memref<2x6x64x2048xf32, #tpu.memory_space<vmem>>, vector<1x1x64x2048xf32>
    %swap3A_205 = vector.shape_cast %swap3A_204 : vector<1x1x64x2048xf32> to vector<64x2048xf32>
    %swap3A_206 = vector.shape_cast %add3A_199 : vector<64x2048xf32> to vector<1x1x64x2048xf32>
    tpu.vector_store %arg13[%swap3A_200, %swap3A_201, %swap3A_202, %swap3A_203], %swap3A_206 {strides = array<i32>} : memref<2x6x64x2048xf32, #tpu.memory_space<vmem>>, vector<1x1x64x2048xf32>,
    %slice3A_207 = vector.extract_strided_slice %mul3A_79 {offsets = [6, 0], sizes = [1, 64], strides = [1, 1]} : vector<12x64xf32> to vector<1x64xf32>
    %squeeze3A_208 = vector.shape_cast %slice3A_207 : vector<1x64xf32> to vector<64xf32>
    %reshape3A_209 = vector.shape_cast %squeeze3A_208 : vector<64xf32> to vector<64x1xf32>
    %concatenate3A_210 = tpu.concatenate %get3A_85, %reshape3A_209, %get3A_88 in 1 : vector<64x1xf32>, vector<64x1xf32>, vector<64x1xf32> -> vector<64x3xf32>
    %slice3A_211 = vector.extract_strided_slice %mul3A_74 {offsets = [6, 0], sizes = [1, 2048], strides = [1, 1]} : vector<12x2048xf32> to vector<1x2048xf32>
    %slice3A_212 = vector.extract_strided_slice %rsqrt3A {offsets = [6, 0], sizes = [1, 2048], strides = [1, 1]} : vector<12x2048xf32> to vector<1x2048xf32>
    %concatenate3A_213 = tpu.concatenate %slice3A_211, %slice3A_212, %broadcast_in_dim3A_90 in 0 : vector<1x2048xf32>, vector<1x2048xf32>, vector<1x2048xf32> -> vector<3x2048xf32>
    %dot_general3A_214 = arith.constant dense<0.000000e+00> : vector<64x2048xf32>
    %dot_general3A_215 = tpu.matmul %concatenate3A_210, %concatenate3A_213, %dot_general3A_214 {dimension_numbers = #tpu.dot_dimension_numbers<[1], [0], [0], [1], [0, 0, 1, 1], [], []>, transpose_lhs_hint = false} : vector<64x3xf32>, vector<3x2048xf32>, vector<64x2048xf32> -> vector<64x2048xf32>
    %slice3A_216 = vector.extract_strided_slice %rsqrt3A {offsets = [6, 0], sizes = [1, 2048], strides = [1, 1]} : vector<12x2048xf32> to vector<1x2048xf32>
    %mul3A_217 = vector.broadcast %slice3A_216 : vector<1x2048xf32> to vector<64x2048xf32>
    %mul3A_218 = arith.mulf %mul3A_217, %get3A_82 : vector<64x2048xf32>
    %add3A_219 = arith.addf %dot_general3A_215, %mul3A_218 : vector<64x2048xf32>
    %swap3A_220 = arith.constant 1 : index
    %swap3A_221 = arith.constant 0 : index
    %swap3A_222 = arith.constant 0 : index
    %swap3A_223 = arith.constant 0 : index
    %swap3A_224 = vector.load %arg13[%swap3A_220, %swap3A_221, %swap3A_222, %swap3A_223] : memref<2x6x64x2048xf32, #tpu.memory_space<vmem>>, vector<1x1x64x2048xf32>
    %swap3A_225 = vector.shape_cast %swap3A_224 : vector<1x1x64x2048xf32> to vector<64x2048xf32>
    %swap3A_226 = vector.shape_cast %add3A_219 : vector<64x2048xf32> to vector<1x1x64x2048xf32>
    tpu.vector_store %arg13[%swap3A_220, %swap3A_221, %swap3A_222, %swap3A_223], %swap3A_226 {strides = array<i32>} : memref<2x6x64x2048xf32, #tpu.memory_space<vmem>>, vector<1x1x64x2048xf32>,
    %slice3A_227 = vector.extract_strided_slice %mul3A_79 {offsets = [7, 0], sizes = [1, 64], strides = [1, 1]} : vector<12x64xf32> to vector<1x64xf32>
    %squeeze3A_228 = vector.shape_cast %slice3A_227 : vector<1x64xf32> to vector<64xf32>
    %reshape3A_229 = vector.shape_cast %squeeze3A_228 : vector<64xf32> to vector<64x1xf32>
    %concatenate3A_230 = tpu.concatenate %get3A_85, %reshape3A_229, %get3A_88 in 1 : vector<64x1xf32>, vector<64x1xf32>, vector<64x1xf32> -> vector<64x3xf32>
    %slice3A_231 = vector.extract_strided_slice %mul3A_74 {offsets = [7, 0], sizes = [1, 2048], strides = [1, 1]} : vector<12x2048xf32> to vector<1x2048xf32>
    %slice3A_232 = vector.extract_strided_slice %rsqrt3A {offsets = [7, 0], sizes = [1, 2048], strides = [1, 1]} : vector<12x2048xf32> to vector<1x2048xf32>
    %concatenate3A_233 = tpu.concatenate %slice3A_231, %slice3A_232, %broadcast_in_dim3A_90 in 0 : vector<1x2048xf32>, vector<1x2048xf32>, vector<1x2048xf32> -> vector<3x2048xf32>
    %dot_general3A_234 = arith.constant dense<0.000000e+00> : vector<64x2048xf32>
    %dot_general3A_235 = tpu.matmul %concatenate3A_230, %concatenate3A_233, %dot_general3A_234 {dimension_numbers = #tpu.dot_dimension_numbers<[1], [0], [0], [1], [0, 0, 1, 1], [], []>, transpose_lhs_hint = false} : vector<64x3xf32>, vector<3x2048xf32>, vector<64x2048xf32> -> vector<64x2048xf32>
    %slice3A_236 = vector.extract_strided_slice %rsqrt3A {offsets = [7, 0], sizes = [1, 2048], strides = [1, 1]} : vector<12x2048xf32> to vector<1x2048xf32>
    %mul3A_237 = vector.broadcast %slice3A_236 : vector<1x2048xf32> to vector<64x2048xf32>
    %mul3A_238 = arith.mulf %mul3A_237, %get3A_82 : vector<64x2048xf32>
    %add3A_239 = arith.addf %dot_general3A_235, %mul3A_238 : vector<64x2048xf32>
    %swap3A_240 = arith.constant 1 : index
    %swap3A_241 = arith.constant 1 : index
    %swap3A_242 = arith.constant 0 : index
    %swap3A_243 = arith.constant 0 : index
    %swap3A_244 = vector.load %arg13[%swap3A_240, %swap3A_241, %swap3A_242, %swap3A_243] : memref<2x6x64x2048xf32, #tpu.memory_space<vmem>>, vector<1x1x64x2048xf32>
    %swap3A_245 = vector.shape_cast %swap3A_244 : vector<1x1x64x2048xf32> to vector<64x2048xf32>
    %swap3A_246 = vector.shape_cast %add3A_239 : vector<64x2048xf32> to vector<1x1x64x2048xf32>
    tpu.vector_store %arg13[%swap3A_240, %swap3A_241, %swap3A_242, %swap3A_243], %swap3A_246 {strides = array<i32>} : memref<2x6x64x2048xf32, #tpu.memory_space<vmem>>, vector<1x1x64x2048xf32>,
    %slice3A_247 = vector.extract_strided_slice %mul3A_79 {offsets = [8, 0], sizes = [1, 64], strides = [1, 1]} : vector<12x64xf32> to vector<1x64xf32>
    %squeeze3A_248 = vector.shape_cast %slice3A_247 : vector<1x64xf32> to vector<64xf32>
    %reshape3A_249 = vector.shape_cast %squeeze3A_248 : vector<64xf32> to vector<64x1xf32>
    %concatenate3A_250 = tpu.concatenate %get3A_85, %reshape3A_249, %get3A_88 in 1 : vector<64x1xf32>, vector<64x1xf32>, vector<64x1xf32> -> vector<64x3xf32>
    %slice3A_251 = vector.extract_strided_slice %mul3A_74 {offsets = [8, 0], sizes = [1, 2048], strides = [1, 1]} : vector<12x2048xf32> to vector<1x2048xf32>
    %slice3A_252 = vector.extract_strided_slice %rsqrt3A {offsets = [8, 0], sizes = [1, 2048], strides = [1, 1]} : vector<12x2048xf32> to vector<1x2048xf32>
    %concatenate3A_253 = tpu.concatenate %slice3A_251, %slice3A_252, %broadcast_in_dim3A_90 in 0 : vector<1x2048xf32>, vector<1x2048xf32>, vector<1x2048xf32> -> vector<3x2048xf32>
    %dot_general3A_254 = arith.constant dense<0.000000e+00> : vector<64x2048xf32>
    %dot_general3A_255 = tpu.matmul %concatenate3A_250, %concatenate3A_253, %dot_general3A_254 {dimension_numbers = #tpu.dot_dimension_numbers<[1], [0], [0], [1], [0, 0, 1, 1], [], []>, transpose_lhs_hint = false} : vector<64x3xf32>, vector<3x2048xf32>, vector<64x2048xf32> -> vector<64x2048xf32>
    %slice3A_256 = vector.extract_strided_slice %rsqrt3A {offsets = [8, 0], sizes = [1, 2048], strides = [1, 1]} : vector<12x2048xf32> to vector<1x2048xf32>
    %mul3A_257 = vector.broadcast %slice3A_256 : vector<1x2048xf32> to vector<64x2048xf32>
    %mul3A_258 = arith.mulf %mul3A_257, %get3A_82 : vector<64x2048xf32>
    %add3A_259 = arith.addf %dot_general3A_255, %mul3A_258 : vector<64x2048xf32>
    %swap3A_260 = arith.constant 1 : index
    %swap3A_261 = arith.constant 2 : index
    %swap3A_262 = arith.constant 0 : index
    %swap3A_263 = arith.constant 0 : index
    %swap3A_264 = vector.load %arg13[%swap3A_260, %swap3A_261, %swap3A_262, %swap3A_263] : memref<2x6x64x2048xf32, #tpu.memory_space<vmem>>, vector<1x1x64x2048xf32>
    %swap3A_265 = vector.shape_cast %swap3A_264 : vector<1x1x64x2048xf32> to vector<64x2048xf32>
    %swap3A_266 = vector.shape_cast %add3A_259 : vector<64x2048xf32> to vector<1x1x64x2048xf32>
    tpu.vector_store %arg13[%swap3A_260, %swap3A_261, %swap3A_262, %swap3A_263], %swap3A_266 {strides = array<i32>} : memref<2x6x64x2048xf32, #tpu.memory_space<vmem>>, vector<1x1x64x2048xf32>,
    %slice3A_267 = vector.extract_strided_slice %mul3A_79 {offsets = [9, 0], sizes = [1, 64], strides = [1, 1]} : vector<12x64xf32> to vector<1x64xf32>
    %squeeze3A_268 = vector.shape_cast %slice3A_267 : vector<1x64xf32> to vector<64xf32>
    %reshape3A_269 = vector.shape_cast %squeeze3A_268 : vector<64xf32> to vector<64x1xf32>
    %concatenate3A_270 = tpu.concatenate %get3A_85, %reshape3A_269, %get3A_88 in 1 : vector<64x1xf32>, vector<64x1xf32>, vector<64x1xf32> -> vector<64x3xf32>
    %slice3A_271 = vector.extract_strided_slice %mul3A_74 {offsets = [9, 0], sizes = [1, 2048], strides = [1, 1]} : vector<12x2048xf32> to vector<1x2048xf32>
    %slice3A_272 = vector.extract_strided_slice %rsqrt3A {offsets = [9, 0], sizes = [1, 2048], strides = [1, 1]} : vector<12x2048xf32> to vector<1x2048xf32>
    %concatenate3A_273 = tpu.concatenate %slice3A_271, %slice3A_272, %broadcast_in_dim3A_90 in 0 : vector<1x2048xf32>, vector<1x2048xf32>, vector<1x2048xf32> -> vector<3x2048xf32>
    %dot_general3A_274 = arith.constant dense<0.000000e+00> : vector<64x2048xf32>
    %dot_general3A_275 = tpu.matmul %concatenate3A_270, %concatenate3A_273, %dot_general3A_274 {dimension_numbers = #tpu.dot_dimension_numbers<[1], [0], [0], [1], [0, 0, 1, 1], [], []>, transpose_lhs_hint = false} : vector<64x3xf32>, vector<3x2048xf32>, vector<64x2048xf32> -> vector<64x2048xf32>
    %slice3A_276 = vector.extract_strided_slice %rsqrt3A {offsets = [9, 0], sizes = [1, 2048], strides = [1, 1]} : vector<12x2048xf32> to vector<1x2048xf32>
    %mul3A_277 = vector.broadcast %slice3A_276 : vector<1x2048xf32> to vector<64x2048xf32>
    %mul3A_278 = arith.mulf %mul3A_277, %get3A_82 : vector<64x2048xf32>
    %add3A_279 = arith.addf %dot_general3A_275, %mul3A_278 : vector<64x2048xf32>
    %swap3A_280 = arith.constant 1 : index
    %swap3A_281 = arith.constant 3 : index
    %swap3A_282 = arith.constant 0 : index
    %swap3A_283 = arith.constant 0 : index
    %swap3A_284 = vector.load %arg13[%swap3A_280, %swap3A_281, %swap3A_282, %swap3A_283] : memref<2x6x64x2048xf32, #tpu.memory_space<vmem>>, vector<1x1x64x2048xf32>
    %swap3A_285 = vector.shape_cast %swap3A_284 : vector<1x1x64x2048xf32> to vector<64x2048xf32>
    %swap3A_286 = vector.shape_cast %add3A_279 : vector<64x2048xf32> to vector<1x1x64x2048xf32>
    tpu.vector_store %arg13[%swap3A_280, %swap3A_281, %swap3A_282, %swap3A_283], %swap3A_286 {strides = array<i32>} : memref<2x6x64x2048xf32, #tpu.memory_space<vmem>>, vector<1x1x64x2048xf32>,
    %slice3A_287 = vector.extract_strided_slice %mul3A_79 {offsets = [10, 0], sizes = [1, 64], strides = [1, 1]} : vector<12x64xf32> to vector<1x64xf32>
    %squeeze3A_288 = vector.shape_cast %slice3A_287 : vector<1x64xf32> to vector<64xf32>
    %reshape3A_289 = vector.shape_cast %squeeze3A_288 : vector<64xf32> to vector<64x1xf32>
    %concatenate3A_290 = tpu.concatenate %get3A_85, %reshape3A_289, %get3A_88 in 1 : vector<64x1xf32>, vector<64x1xf32>, vector<64x1xf32> -> vector<64x3xf32>
    %slice3A_291 = vector.extract_strided_slice %mul3A_74 {offsets = [10, 0], sizes = [1, 2048], strides = [1, 1]} : vector<12x2048xf32> to vector<1x2048xf32>
    %slice3A_292 = vector.extract_strided_slice %rsqrt3A {offsets = [10, 0], sizes = [1, 2048], strides = [1, 1]} : vector<12x2048xf32> to vector<1x2048xf32>
    %concatenate3A_293 = tpu.concatenate %slice3A_291, %slice3A_292, %broadcast_in_dim3A_90 in 0 : vector<1x2048xf32>, vector<1x2048xf32>, vector<1x2048xf32> -> vector<3x2048xf32>
    %dot_general3A_294 = arith.constant dense<0.000000e+00> : vector<64x2048xf32>
    %dot_general3A_295 = tpu.matmul %concatenate3A_290, %concatenate3A_293, %dot_general3A_294 {dimension_numbers = #tpu.dot_dimension_numbers<[1], [0], [0], [1], [0, 0, 1, 1], [], []>, transpose_lhs_hint = false} : vector<64x3xf32>, vector<3x2048xf32>, vector<64x2048xf32> -> vector<64x2048xf32>
    %slice3A_296 = vector.extract_strided_slice %rsqrt3A {offsets = [10, 0], sizes = [1, 2048], strides = [1, 1]} : vector<12x2048xf32> to vector<1x2048xf32>
    %mul3A_297 = vector.broadcast %slice3A_296 : vector<1x2048xf32> to vector<64x2048xf32>
    %mul3A_298 = arith.mulf %mul3A_297, %get3A_82 : vector<64x2048xf32>
    %add3A_299 = arith.addf %dot_general3A_295, %mul3A_298 : vector<64x2048xf32>
    %swap3A_300 = arith.constant 1 : index
    %swap3A_301 = arith.constant 4 : index
    %swap3A_302 = arith.constant 0 : index
    %swap3A_303 = arith.constant 0 : index
    %swap3A_304 = vector.load %arg13[%swap3A_300, %swap3A_301, %swap3A_302, %swap3A_303] : memref<2x6x64x2048xf32, #tpu.memory_space<vmem>>, vector<1x1x64x2048xf32>
    %swap3A_305 = vector.shape_cast %swap3A_304 : vector<1x1x64x2048xf32> to vector<64x2048xf32>
    %swap3A_306 = vector.shape_cast %add3A_299 : vector<64x2048xf32> to vector<1x1x64x2048xf32>
    tpu.vector_store %arg13[%swap3A_300, %swap3A_301, %swap3A_302, %swap3A_303], %swap3A_306 {strides = array<i32>} : memref<2x6x64x2048xf32, #tpu.memory_space<vmem>>, vector<1x1x64x2048xf32>,
    %slice3A_307 = vector.extract_strided_slice %mul3A_79 {offsets = [11, 0], sizes = [1, 64], strides = [1, 1]} : vector<12x64xf32> to vector<1x64xf32>
    %squeeze3A_308 = vector.shape_cast %slice3A_307 : vector<1x64xf32> to vector<64xf32>
    %reshape3A_309 = vector.shape_cast %squeeze3A_308 : vector<64xf32> to vector<64x1xf32>
    %concatenate3A_310 = tpu.concatenate %get3A_85, %reshape3A_309, %get3A_88 in 1 : vector<64x1xf32>, vector<64x1xf32>, vector<64x1xf32> -> vector<64x3xf32>
    %slice3A_311 = vector.extract_strided_slice %mul3A_74 {offsets = [11, 0], sizes = [1, 2048], strides = [1, 1]} : vector<12x2048xf32> to vector<1x2048xf32>
    %slice3A_312 = vector.extract_strided_slice %rsqrt3A {offsets = [11, 0], sizes = [1, 2048], strides = [1, 1]} : vector<12x2048xf32> to vector<1x2048xf32>
    %concatenate3A_313 = tpu.concatenate %slice3A_311, %slice3A_312, %broadcast_in_dim3A_90 in 0 : vector<1x2048xf32>, vector<1x2048xf32>, vector<1x2048xf32> -> vector<3x2048xf32>
    %dot_general3A_314 = arith.constant dense<0.000000e+00> : vector<64x2048xf32>
    %dot_general3A_315 = tpu.matmul %concatenate3A_310, %concatenate3A_313, %dot_general3A_314 {dimension_numbers = #tpu.dot_dimension_numbers<[1], [0], [0], [1], [0, 0, 1, 1], [], []>, transpose_lhs_hint = false} : vector<64x3xf32>, vector<3x2048xf32>, vector<64x2048xf32> -> vector<64x2048xf32>
    %slice3A_316 = vector.extract_strided_slice %rsqrt3A {offsets = [11, 0], sizes = [1, 2048], strides = [1, 1]} : vector<12x2048xf32> to vector<1x2048xf32>
    %mul3A_317 = vector.broadcast %slice3A_316 : vector<1x2048xf32> to vector<64x2048xf32>
    %mul3A_318 = arith.mulf %mul3A_317, %get3A_82 : vector<64x2048xf32>
    %add3A_319 = arith.addf %dot_general3A_315, %mul3A_318 : vector<64x2048xf32>
    %swap3A_320 = arith.constant 1 : index
    %swap3A_321 = arith.constant 5 : index
    %swap3A_322 = arith.constant 0 : index
    %swap3A_323 = arith.constant 0 : index
    %swap3A_324 = vector.load %arg13[%swap3A_320, %swap3A_321, %swap3A_322, %swap3A_323] : memref<2x6x64x2048xf32, #tpu.memory_space<vmem>>, vector<1x1x64x2048xf32>
    %swap3A_325 = vector.shape_cast %swap3A_324 : vector<1x1x64x2048xf32> to vector<64x2048xf32>
    %swap3A_326 = vector.shape_cast %add3A_319 : vector<64x2048xf32> to vector<1x1x64x2048xf32>
    tpu.vector_store %arg13[%swap3A_320, %swap3A_321, %swap3A_322, %swap3A_323], %swap3A_326 {strides = array<i32>} : memref<2x6x64x2048xf32, #tpu.memory_space<vmem>>, vector<1x1x64x2048xf32>,
    return
  }
  func.func @transform_0(%arg0: i32, %arg1: i32) -> (i32, i32, i32, i32) {
    %c0_i32 = arith.constant 0 : i32
    %c0_i32_0 = arith.constant 0 : i32
    %c0_i32_1 = arith.constant 0 : i32
    return %arg0, %arg1, %c0_i32, %c0_i32_0 : i32, i32, i32, i32
  }
  func.func @transform_1(%arg0: i32, %arg1: i32) -> (i32, i32, i32, i32) {
    %c0_i32 = arith.constant 0 : i32
    %c0_i32_0 = arith.constant 0 : i32
    %c0_i32_1 = arith.constant 0 : i32
    return %arg0, %arg1, %c0_i32, %c0_i32_0 : i32, i32, i32, i32
  }
  func.func @transform_2(%arg0: i32, %arg1: i32) -> (i32, i32) {
    %c0_i32 = arith.constant 0 : i32
    %c0_i32_0 = arith.constant 0 : i32
    %c0_i32_1 = arith.constant 0 : i32
    return %c0_i32, %c0_i32_0 : i32, i32
  }
  func.func @transform_3(%arg0: i32, %arg1: i32) -> (i32, i32) {
    %c0_i32 = arith.constant 0 : i32
    %c0_i32_0 = arith.constant 0 : i32
    %c0_i32_1 = arith.constant 0 : i32
    return %c0_i32, %c0_i32_0 : i32, i32
  }
  func.func @transform_4(%arg0: i32, %arg1: i32) -> (i32, i32) {
    %c0_i32 = arith.constant 0 : i32
    %c0_i32_0 = arith.constant 0 : i32
    %c0_i32_1 = arith.constant 0 : i32
    return %c0_i32, %c0_i32_0 : i32, i32
  }
  func.func @transform_5(%arg0: i32, %arg1: i32) -> (i32, i32) {
    %c0_i32 = arith.constant 0 : i32
    %c0_i32_0 = arith.constant 0 : i32
    %c0_i32_1 = arith.constant 0 : i32
    return %c0_i32, %c0_i32_0 : i32, i32
  }
  func.func @transform_6(%arg0: i32, %arg1: i32) -> (i32, i32) {
    %c0_i32 = arith.constant 0 : i32
    %c0_i32_0 = arith.constant 0 : i32
    %c0_i32_1 = arith.constant 0 : i32
    return %c0_i32, %c0_i32_0 : i32, i32
  }
  func.func @transform_7(%arg0: i32, %arg1: i32) -> (i32, i32) {
    %c0_i32 = arith.constant 0 : i32
    %c0_i32_0 = arith.constant 0 : i32
    %c0_i32_1 = arith.constant 0 : i32
    return %c0_i32, %c0_i32_0 : i32, i32
  }
  func.func @transform_8(%arg0: i32, %arg1: i32) -> (i32, i32) {
    %c0_i32 = arith.constant 0 : i32
    %c0_i32_0 = arith.constant 0 : i32
    %c0_i32_1 = arith.constant 0 : i32
    return %c0_i32, %c0_i32_0 : i32, i32
  }
  func.func @transform_9(%arg0: i32, %arg1: i32) -> (i32, i32) {
    %c0_i32 = arith.constant 0 : i32
    %c0_i32_0 = arith.constant 0 : i32
    %c0_i32_1 = arith.constant 0 : i32
    return %c0_i32, %c0_i32_0 : i32, i32
  }
  func.func @transform_10(%arg0: i32, %arg1: i32) -> (i32, i32) {
    %c0_i32 = arith.constant 0 : i32
    %c0_i32_0 = arith.constant 0 : i32
    %c0_i32_1 = arith.constant 0 : i32
    return %c0_i32, %c0_i32_0 : i32, i32
  }
  func.func @transform_11(%arg0: i32, %arg1: i32) -> (i32, i32, i32, i32) {
    %c0_i32 = arith.constant 0 : i32
    %c0_i32_0 = arith.constant 0 : i32
    %c0_i32_1 = arith.constant 0 : i32
    return %arg0, %arg1, %c0_i32, %c0_i32_0 : i32, i32, i32, i32
  }
}

</mosaic_0001>

<sc_bundles>
// kernel: kernel.5.cloned.1.call-start
scs
__scs_entry_jumppad:
0x0: {  	(pc) =	sbr.rel $0x88, $3  }
0x1: {  	(tag) =	ssettag $0x0;
	lr =	simm.s32 $0x1  }
0x2: {  	[smem:$0x3F94] =	sst lr;
	_ =	strace $0xD0000000  }
0x3: {  	_ = 	snop  }
0x4: {  	_ = 	snop  }
0x5: {  	_ = 	snop  }
0x6: {  	_ = 	snop  }
0x7: {  	_ = 	snop  }
__scs_overlays_trampoline_lowered:
0x8: {  	[smem:$0x3FA3] =	sst s0  }
0x9: {  	[smem:$0x3FA4] =	sst s1  }
0xa: {  	[smem:$0x3FA5] =	sst s2  }
0xb: {  	[smem:$0x3FA6] =	sst s3  }
0xc: {  	[smem:$0x3FA7] =	sst s4  }
0xd: {  	[smem:$0x3FA8] =	sst s5  }
0xe: {  	[smem:$0x3FA9] =	sst s6  }
0xf: {  	[smem:$0x3FAA] =	sst s7  }
0x10: {  	[smem:$0x3FAB] =	sst s8  }
0x11: {  	[smem:$0x3FAC] =	sst s9;
	s0 =	simm.s32 @!p0 $0x0  }
0x12: {  	s1 =	sld [smem:$0x3F92];
	s0 =	simm.s32 @p0 $0x1  }
0x13: {  	[smem:$0x3FAD] =	sst s0;
	s0 =	simm.s32 @!p1 $0x0  }
0x14: {  	s2 =	sld [smem:$0x3F91];
	s0 =	simm.s32 @p1 $0x1  }
0x15: {  	[smem:$0x3FAE] =	sst s0;
	s0 =	simm.s32 @!p2 $0x0  }
0x16: {  	s3 =	sld [smem:$0x3FDB];
	s0 =	simm.s32 @p2 $0x1  }
0x17: {  	s4 =	simm.s32 $0x1BF5;
	[smem:$0x3FB0] =	sst s0  }
0x18: {  	s0 =	sld [smem:$0x3F93];
	_ =	swait.ge [sflag:s4], $0x0  }
0x19: {  	s7 =	sld [smem:$0x3F94]  }
0x1a: {  	s8 =	sadd.s32 $0xFFFFE003, lr  }
0x1b: {  	s9 =	sadd.s32 $0xFFFFFEF7, lr;
	s5 =	simm.s32 $0xFFFFFFFF;
	p2 =	slt.u32 s8, $0xFFFFF086  }
0x1c: {  	p1 =	slt.u32 s9, $0xF7A;
	s5 =	simm.s32 @!p2 $0x0  }
0x1d: {  	s5 =	simm.s32 @p1 $0x1;
	p0 =	seq.s32 s7, s2  }
0x1e: {  	s7 =	smul.u32 @!p0 $0xF7A, s2;
	p2 =	seq.s32 @!p0 s5, $0x0  }
0x1f: {  	s9 =	smul.u32 $0xF7A, s1;
	s8 =	simm.s32 @!p0 $0x1BF5;
	p2 =	por !p2, p0  }
0x20: {  	[sflag:s8] =	ssyncset.s32 @!p0 $0xFFFFF086;
	s6 =	sadd.s32 @!p0 s3, s7;
	s7 =	simm.s32 @!p0 $0x108  }
0x21: {  	s3 =	sadd.s32 s3, s9;
	s6 =	sadd.s32 @!p0 $0x88, s6;
	s7 =	simm.s32 @p2 $0x1082  }
0x22: {  	[simem:s7], [sflag:s8] =	dma.local @!p0 [hbm:s6], $0xF7A  }
0x23: {  	s9 =	sor.u32 $0xD0000000, s2;
	s6 =	simm.s32 $0x108;
	_ =	swait.ge @!p0 [sflag:s8], $0x0  }
0x24: {  	s3 =	sadd.s32 $0x88, s3;
	s6 =	simm.s32 @!p1 $0x1082;
	[sflag:s4] =	ssyncset.s32 $0xFFFFF086  }
0x25: {  	[simem:s6], [sflag:s4] =	dma.local [hbm:s3], $0xF7A  }
0x26: {  	[smem:$0x3F94] =	sst s1;
	(tag) =	ssettag s2;
	_ =	strace s9  }
0x27: {  	s1 =	sld [smem:$0x3FA4]  }
0x28: {  	s2 =	sld [smem:$0x3FA5]  }
0x29: {  	s4 =	sld [smem:$0x3FA7]  }
0x2a: {  	p0 =	seq.s32 s5, $0x0;
	s5 =	sld [smem:$0x3FA8]  }
0x2b: {  	s6 =	sld [smem:$0x3FA9]  }
0x2c: {  	s7 =	sld [smem:$0x3FAA]  }
0x2d: {  	s3 =	simm.s32 $0x108;
	s8 =	sld [smem:$0x3FAB]  }
0x2e: {  	s3 =	simm.s32 @!p0 $0x1082;
	s9 =	sld [smem:$0x3FAC]  }
0x2f: {  	lr =	sadd.s32 s0, s3;
	s0 =	sld [smem:$0x3FA3]  }
0x30: {  	s3 =	sld [smem:$0x3FA6]  }
0x31: {  	[smem:$0x3FAF] =	sst s10  }
0x32: {  	s10 =	sld [smem:$0x3FAD];
	_ =	sdelay $0x3  }
0x33: {  	p0 =	seq.s32 s10, $0x1;
	s10 =	sld [smem:$0x3FAF];
	_ =	sdelay $0x3  }
0x34: {  	[smem:$0x3FAF] =	sst s10  }
0x35: {  	s10 =	sld [smem:$0x3FAE];
	_ =	sdelay $0x3  }
0x36: {  	p1 =	seq.s32 s10, $0x1;
	s10 =	sld [smem:$0x3FAF];
	_ =	sdelay $0x3  }
0x37: {  	[smem:$0x3FAF] =	sst s10  }
0x38: {  	s10 =	sld [smem:$0x3FB0]  }
0x39: {  	_ = 	snop;
	(pc) =	sbr.ind lr, $3  }
0x3a: {  	_ = 	snop  }
0x3b: {  	_ = 	snop  }
0x3c: {  	p2 =	seq.s32 s10, $0x1;
	s10 =	sld [smem:$0x3FAF]  }
0x3d: {  	_ =	shalt  }
0x3e: {  	_ =	shalt  }
0x3f: {  	_ =	shalt  }
0x40: {  	_ =	shalt  }
0x41: {  	_ =	shalt  }
0x42: {  	_ =	shalt  }
0x43: {  	_ =	shalt  }
0x44: {  	_ =	shalt  }
0x45: {  	_ =	shalt  }
0x46: {  	_ =	shalt  }
0x47: {  	_ =	shalt  }
0x48: {  	_ =	shalt  }
0x49: {  	_ =	shalt  }
0x4a: {  	_ =	shalt  }
0x4b: {  	_ =	shalt  }
0x4c: {  	_ =	shalt  }
0x4d: {  	_ =	shalt  }
0x4e: {  	_ =	shalt  }
0x4f: {  	_ =	shalt  }
0x50: {  	_ =	shalt  }
0x51: {  	_ =	shalt  }
0x52: {  	_ =	shalt  }
0x53: {  	_ =	shalt  }
0x54: {  	_ =	shalt  }
0x55: {  	_ =	shalt  }
0x56: {  	_ =	shalt  }
0x57: {  	_ =	shalt  }
0x58: {  	_ =	shalt  }
0x59: {  	_ =	shalt  }
0x5a: {  	_ =	shalt  }
0x5b: {  	_ =	shalt  }
0x5c: {  	_ =	shalt  }
0x5d: {  	_ =	shalt  }
0x5e: {  	_ =	shalt  }
0x5f: {  	_ =	shalt  }
0x60: {  	_ =	shalt  }
0x61: {  	_ =	shalt  }
0x62: {  	_ =	shalt  }
0x63: {  	_ =	shalt  }
0x64: {  	_ =	shalt  }
0x65: {  	_ =	shalt  }
0x66: {  	_ =	shalt  }
0x67: {  	_ =	shalt  }
0x68: {  	_ =	shalt  }
0x69: {  	_ =	shalt  }
0x6a: {  	_ =	shalt  }
0x6b: {  	_ =	shalt  }
0x6c: {  	_ =	shalt  }
0x6d: {  	_ =	shalt  }
0x6e: {  	_ =	shalt  }
0x6f: {  	_ =	shalt  }
0x70: {  	_ =	shalt  }
0x71: {  	_ =	shalt  }
0x72: {  	_ =	shalt  }
0x73: {  	_ =	shalt  }
0x74: {  	_ =	shalt  }
0x75: {  	_ =	shalt  }
0x76: {  	_ =	shalt  }
0x77: {  	_ =	shalt  }
0x78: {  	_ =	shalt  }
0x79: {  	_ =	shalt  }
0x7a: {  	_ =	shalt  }
0x7b: {  	_ =	shalt  }
0x7c: {  	_ =	shalt  }
0x7d: {  	_ =	shalt  }
0x7e: {  	_ =	shalt  }
0x7f: {  	_ =	shalt  }
0x80: {  	_ =	shalt  }
0x81: {  	_ =	shalt  }
0x82: {  	_ =	shalt  }
0x83: {  	_ =	shalt  }
0x84: {  	_ =	shalt  }
0x85: {  	_ =	shalt  }
0x86: {  	_ =	shalt  }
0x87: {  	_ =	shalt  }
.Lfunc_end0:
.L_simem_size_0:
called_computation_lowered:
.L_overlay_start_0:
0x88: {  	s2 =	sld [smem:$0x3FD9]  }
0x89: {  	s3 =	sld [smem:$0x3FFE];
	_ =	sdelay $0x1  }
0x8a: {  	s1 =	srdreg.scid  }
0x8b: {  	s0 =	sand.u32 $0x1, s1  }
0x8c: {  	s17 =	sshll.u32 s0, $0xA;
	s2 =	sadd.s32 s3, s2  }
0x8d: {  	s2 =	sadd.s32 s2, s17  }
0x8e: {  	[smem:$0x3FBB] =	sst s2  }
0x8f: {  	_ = 	snop  }
0x90: {  	s2 =	sld [smem:$0x3FD0];
	(tm) =	ssettm $0x1  }
0x91: {  	s18 =	sld [smem:$0x3FFB];
	_ =	sdelay $0x3  }
0x92: {  	_ =	strace s18  }
0x93: {  	s3 =	sld [smem:$0x3FFC];
	_ =	sdelay $0x3  }
0x94: {  	_ =	strace s3  }
0x95: {  	s3 =	sld [smem:$0x3FFD];
	_ =	sdelay $0x3  }
0x96: {  	_ =	strace s3  }
0x97: {  	_ =	strace $0x8FFFFFFF  }
0x98: {  	s19 =	sld [smem:$0x3FDB];
	_ =	sdelay $0x1  }
0x99: {  	s4 =	simm.s32 $_scs_section_size  }
0x9a: {  	s5 =	simm.s32 $_size__tile_overlayer_lowered;
	s6 =	simm.s32 $_tile_overlayer_lowered  }
0x9b: {  	s22 =	simm.s32 $0x1BFF;
	s21 =	sshll.u32 s6, $0x1;
	s3 =	sadd.s32 s4, s19  }
0x9c: {  	s7 =	simm.s32 $0x0;
	s20 =	sshll.u32 s5, $0x1;
	s5 =	sadd.s32 s21, s3  }
0x9d: {  	[timem:s7], [sflag:s22] =	dma.local [hbm:s5], s20  }
0x9e: {  	_ =	swait.ge [sflag:s22], s20  }
0x9f: {  	s4 =	ssub.s32 $0x0, s20;
	[sflag:s22] =	ssyncset.done $0x0  }
0xa0: {  	[sflag:s22] =	ssyncadd.s32 s4;
	_ =	sdelay $0x1  }
0xa1: {  	s23 =	simm.s32 $0x1B8B  }
0xa2: {  	_ =	swait.ge [sflag:s23], $0x1  }
0xa3: {  	[sflag:s23] =	ssyncset.done $0x0  }
0xa4: {  	s25 =	simm.s32 $0x1B8E;
	s24 =	sld [smem:$0x3FFE];
	[sflag:s23] =	ssyncadd.s32 $0xFFFFFFFF  }
0xa5: {  	s26 =	simm.s32 $execute0_lowered;
	[smem:$0x3FD2] =	sst s25  }
0xa6: {  	s5 =	sshll.u32 s26, $0x1;
	_ =	strace $0x80000046;
	[dreg:$0x1] =	wrdreg $0xFFFFFFFF  }
0xa7: {  	s28 =	simm.s32 $_size_execute0_lowered;
	s3 =	sadd.s32 s3, s5;
	[dreg:$0x0] =	wrdreg $0x0  }
0xa8: {  	s5 =	sshll.u32 s28, $0x1;
	[dreg:$0x2] =	wrdreg s3  }
0xa9: {  	[dreg:$0x3] =	wrdreg s5  }
0xaa: {  	[dreg:$0x4] =	wrdreg $0xC0  }
0xab: {  	_ =	task [dreg:s7], $0x5FFFF  }
0xac: {  	[dreg:$0x1] =	wrdreg $0xFFFFFFFF  }
0xad: {  	[dreg:$0x0] =	wrdreg $0x60  }
0xae: {  	[dreg:$0x2] =	wrdreg s24  }
0xaf: {  	[dreg:$0x3] =	wrdreg s2  }
0xb0: {  	[dreg:$0x4] =	wrdreg $0x9  }
0xb1: {  	_ =	task.clear_ibuf [dreg:s7], $0x5FFFF;
	_ =	strace $0x90000046  }
0xb2: {  	s29 =	simm.s32 $0x9;
	_ =	strace $0x80000048  }
0xb3: {  	_ =	swait.ge [sflag:s29], $0x1  }
0xb4: {  	[sflag:s29] =	ssyncadd.s32 $0xFFFFFFFF  }
0xb5: {  	_ =	strace $0x90000048  }
0xb6: {  	_ =	sfence  }
0xb7: {  	s30 =	sld [smem:$0x0];
	_ =	sdelay $0x2  }
0xb8: {  	s31 =	sshll.u32 s1, $0xD;
	s1 =	sshrl.u32 s1, $0x2  }
0xb9: {  	s3 =	sand.u32 $0x4000, s31;
	s1 =	sadd.s32 s1, s30  }
0xba: {  	s0 =	sor.u32 s3, s0;
	s1 =	sshll.u32 s1, $0x11  }
0xbb: {  	s0 =	sor.u32 s1, s0  }
0xbc: {  	s0 =	sadd.s32 $0x8F2B, s0  }
0xbd: {  	[sflag:s0] =	ssyncadd.remote.s32 $0x1  }
0xbe: {  	_ =	sfence.sel $0xFFFF  }
0xbf: {  	[dreg:$0x0] =	wrdreg $0xFFFFFFFF;
	(pc) =	sbr.abs _section_cstart, $3  }
0xc0: {  	[dreg:$0x1] =	wrdreg $0xFFFFFFFF  }
0xc1: {  	_ =	task.clear_ibuf [dreg:s7], $0x2FFFF;
	_ =	strace $0x9FFFFFFF  }
0xc2: {  	(tm) =	ssettm $0x7FFFFFFF  }
0xc3: {  	_ =	shalt  }
tec
execute0_lowered:
.L_overlay_start_1:
0x0: {  	(tag) =	ssettag $0x1  }
0x1: {  	s1 =	stileid.u32  }
0x2: {  	p0 =	sgt.u32 s1, $0xB  }
.Ltmp0:
0x3: {  	_ = 	snop;
	(pc) =	sbr.rel @p0 .LBB2_3-.Ltmp0, $4  }
0x4: {  	s4 =	rddreg [dreg:$0x0]  }
0x5: {  	s6 =	rddreg [dreg:$0x1];
	s2 =	simm.s32 $0x0  }
0x6: {  	[smem:$0x7FF] =	sst s2  }
0x7: {  	s0 =	rddreg [dreg:$0x2];
	_ =	strace $0x80000047  }
0x8: {  	s3 =	srdreg.scid;
	s5 =	sshll.u32 s1, $0x1  }
0x9: {  	s9 =	sadd.s32 $0x2200, s4;
	s12 =	simm.s32 $0x100;
	s3 =	sand.u32 $0x1, s3  }
0xa: {  	s13 =	simm.s32 $0x900;
	s14 =	simm.s32 $0x1;
	s7 =	sor.u32 s3, s5  }
0xb: {  	s10 =	ssub.s32 $0x2, s3;
	s3 =	sadd.s32 $0x2800, s4;
	s8 =	sshll.u32 s7, $0x1  }
0xc: {  	s11 =	sshrl.u32 s10, $0x1;
	s7 =	sshll.u32 s7, $0x8;
	s31 =	sadd.s32 s8, s4  }
0xd: {  	s4 =	sadd.s32 $0x3A00, s4;
	s10 =	ssub.s32 s10, s11;
	s6 =	sadd.s32 s6, s7  }
0xe: {  	s7 =	sadd.s32 s9, s8;
	s9 =	simm.s32 $0x2;
	s11 =	simm.s32 $0x10  }
0xf: {  	s5 =	sadd.s32 $0x2400, s31;
	s8 =	smax.u32 s10, $0x1;
	s10 =	simm.s32 $0x80  }
.LBB2_2:
0x10: {  	[tilespmem:s2], [sflag:$0x2] =	stream.linear.gather [hbm4b:s7+s2], $0x10, $0x38;
	[tilespmem:$0x1100] =	vst v63  }
0x11: {  	_ =	swait.ge [sflag:s9], $0x10  }
0x12: {  	[sflag:s9] =	ssyncset.done $0x0  }
0x13: {  	[sflag:s9] =	ssyncadd.s32 $0xFFFFFFF0  }
0x14: {  	[tilespmem:s10], [sflag:$0x2] =	stream.linear.gather [hbm4b:s5+s2], $0x10, $0x38;
	[tilespmem:$0x1100] =	vst v63  }
0x15: {  	_ =	swait.ge [sflag:s9], $0x10  }
0x16: {  	[sflag:s9] =	ssyncset.done $0x0  }
0x17: {  	[sflag:s9] =	ssyncadd.s32 $0xFFFFFFF0  }
0x18: {  	[tilespmem:s12], [sflag:$0x1] =	stream.indirect.gather [hbm4b:s3+s11], $0x80, s2, s11, $0xb8;
	[tilespmem:$0x1100] =	vst v63  }
0x19: {  	_ = 	snop  }
0x1a: {  	[tilespmem:s13], [sflag:$0x1] =	stream.indirect.gather [hbm4b:s4+s11], $0x80, s10, s11, $0xb8;
	[tilespmem:$0x1100] =	vst v63  }
0x1b: {  	_ =	swait.ge [sflag:s14], $0x800  }
0x1c: {  	[sflag:s14] =	ssyncset.done $0x0  }
0x1d: {  	[sflag:s14] =	ssyncadd.s32 $0xFFFFF800  }
0x1e: {  	_ =	swait.ge [sflag:s14], $0x800  }
0x1f: {  	[sflag:s14] =	ssyncset.done $0x0  }
0x20: {  	[sflag:s14] =	ssyncadd.s32 $0xFFFFF800  }
0x21: {  	v0 =	vld [tilespmem:$0x100]  }
0x22: {  	v1 =	vld [tilespmem:$0x900]  }
0x23: {  	v2 =	vld [tilespmem:$0x110]  }
0x24: {  	v3 =	vld [tilespmem:$0x910]  }
0x25: {  	v4 =	vld [tilespmem:$0x120]  }
0x26: {  	v5 =	vld [tilespmem:$0x920]  }
0x27: {  	v6 =	vld [tilespmem:$0x130]  }
0x28: {  	v7 =	vld [tilespmem:$0x930]  }
0x29: {  	v8 =	vld [tilespmem:$0x180]  }
0x2a: {  	v9 =	vld [tilespmem:$0x980]  }
0x2b: {  	v10 =	vld [tilespmem:$0x190]  }
0x2c: {  	v11 =	vld [tilespmem:$0x990]  }
0x2d: {  	v12 =	vld [tilespmem:$0x1A0]  }
0x2e: {  	v13 =	vld [tilespmem:$0x9A0]  }
0x2f: {  	v14 =	vld [tilespmem:$0x1B0]  }
0x30: {  	v15 =	vld [tilespmem:$0x9B0]  }
0x31: {  	v16 =	vld [tilespmem:$0x200]  }
0x32: {  	v17 =	vld [tilespmem:$0xA00]  }
0x33: {  	v18 =	vld [tilespmem:$0x210]  }
0x34: {  	v19 =	vld [tilespmem:$0xA10]  }
0x35: {  	v20 =	vld [tilespmem:$0x220]  }
0x36: {  	v21 =	vld [tilespmem:$0xA20]  }
0x37: {  	v22 =	vld [tilespmem:$0x230]  }
0x38: {  	v23 =	vld [tilespmem:$0xA30]  }
0x39: {  	v24 =	vld [tilespmem:$0x280]  }
0x3a: {  	v25 =	vld [tilespmem:$0xA80]  }
0x3b: {  	v26 =	vld [tilespmem:$0x290]  }
0x3c: {  	v27 =	vld [tilespmem:$0xA90]  }
0x3d: {  	v28 =	vld [tilespmem:$0x2A0]  }
0x3e: {  	v29 =	vld [tilespmem:$0xAA0]  }
0x3f: {  	v30 =	vld [tilespmem:$0x2B0]  }
0x40: {  	v31 =	vld [tilespmem:$0xAB0]  }
0x41: {  	v32 =	vld [tilespmem:$0x300]  }
0x42: {  	v33 =	vld [tilespmem:$0xB00]  }
0x43: {  	v34 =	vld [tilespmem:$0x310]  }
0x44: {  	v35 =	vld [tilespmem:$0xB10]  }
0x45: {  	v36 =	vld [tilespmem:$0x320]  }
0x46: {  	v37 =	vld [tilespmem:$0xB20]  }
0x47: {  	v38 =	vld [tilespmem:$0x330]  }
0x48: {  	v39 =	vld [tilespmem:$0xB30]  }
0x49: {  	v40 =	vld [tilespmem:$0x380]  }
0x4a: {  	v41 =	vld [tilespmem:$0xB80]  }
0x4b: {  	v42 =	vld [tilespmem:$0x390]  }
0x4c: {  	v43 =	vld [tilespmem:$0xB90]  }
0x4d: {  	v44 =	vld [tilespmem:$0x3A0]  }
0x4e: {  	v45 =	vld [tilespmem:$0xBA0]  }
0x4f: {  	v46 =	vld [tilespmem:$0x3B0]  }
0x50: {  	v47 =	vld [tilespmem:$0xBB0]  }
0x51: {  	v48 =	vld [tilespmem:$0x400]  }
0x52: {  	v49 =	vld [tilespmem:$0xC00]  }
0x53: {  	v50 =	vld [tilespmem:$0x410]  }
0x54: {  	v51 =	vld [tilespmem:$0xC10]  }
0x55: {  	v52 =	vld [tilespmem:$0x420]  }
0x56: {  	v53 =	vld [tilespmem:$0xC20]  }
0x57: {  	v54 =	vld [tilespmem:$0x430]  }
0x58: {  	v55 =	vld [tilespmem:$0xC30]  }
0x59: {  	v56 =	vld [tilespmem:$0x480]  }
0x5a: {  	v57 =	vld [tilespmem:$0xC80]  }
0x5b: {  	v58 =	vld [tilespmem:$0x490]  }
0x5c: {  	v62 =	vld [tilespmem:$0x4B0]  }
0x5d: {  	v59 =	vld [tilespmem:$0xC90]  }
0x5e: {  	v60 =	vld [tilespmem:$0x4A0]  }
0x5f: {  	v61 =	vld [tilespmem:$0xCA0]  }
0x60: {  	v63 =	vld [tilespmem:$0xCB0]  }
0x61: {  	[tilespmem:$0x1FFA0] =	vst v62;
	v62 =	vld [tilespmem:$0x500]  }
0x62: {  	v0 =	vadd.f32 v1, v0;
	v1 =	vld [tilespmem:$0xD20]  }
0x63: {  	v2 =	vadd.f32 v3, v2;
	v3 =	vld [tilespmem:$0x530]  }
0x64: {  	v9 =	vadd.f32 v9, v8;
	v8 =	vld [tilespmem:$0xD90]  }
0x65: {  	v13 =	vadd.f32 v13, v12;
	v12 =	vld [tilespmem:$0xDB0]  }
0x66: {  	v15 =	vadd.f32 v15, v14;
	v14 =	vld [tilespmem:$0xE00]  }
0x67: {  	v17 =	vadd.f32 v17, v16;
	v16 =	vld [tilespmem:$0xE10]  }
0x68: {  	v19 =	vadd.f32 v19, v18;
	v18 =	vld [tilespmem:$0xE20]  }
0x69: {  	v23 =	vadd.f32 v23, v22;
	v22 =	vld [tilespmem:$0xE80];
	[tilespmem:$0x100] =	vst v0  }
0x6a: {  	v25 =	vadd.f32 v25, v24;
	v24 =	vld [tilespmem:$0xE90];
	[tilespmem:$0x110] =	vst v2  }
0x6b: {  	v21 =	vadd.f32 v21, v20;
	v27 =	vadd.f32 v27, v26;
	v26 =	vld [tilespmem:$0xEA0];
	[tilespmem:$0x180] =	vst v9  }
0x6c: {  	v31 =	vadd.f32 v31, v30;
	v30 =	vadd.f32 v45, v44;
	v45 =	vld [tilespmem:$0xF30];
	[tilespmem:$0x1A0] =	vst v13  }
0x6d: {  	v33 =	vadd.f32 v33, v32;
	v32 =	vadd.f32 v49, v48;
	v49 =	vld [tilespmem:$0xF80];
	[tilespmem:$0x1B0] =	vst v15  }
0x6e: {  	v35 =	vadd.f32 v35, v34;
	v34 =	vadd.f32 v53, v52;
	v53 =	vld [tilespmem:$0xF90];
	[tilespmem:$0x200] =	vst v17  }
0x6f: {  	v37 =	vadd.f32 v37, v36;
	v36 =	vadd.f32 v57, v56;
	v57 =	vld [tilespmem:$0xFA0];
	[tilespmem:$0x210] =	vst v19  }
0x70: {  	v0 =	vadd.f32 v5, v4;
	v4 =	vld [tilespmem:$0xD30];
	[tilespmem:$0x220] =	vst v21  }
0x71: {  	v5 =	vld [tilespmem:$0x580];
	[tilespmem:$0x230] =	vst v23  }
0x72: {  	v29 =	vadd.f32 v29, v28;
	v9 =	vld [tilespmem:$0x5A0];
	[tilespmem:$0x280] =	vst v25  }
0x73: {  	v13 =	vld [tilespmem:$0x600];
	[tilespmem:$0x290] =	vst v27  }
0x74: {  	v15 =	vld [tilespmem:$0x610];
	[tilespmem:$0x2A0] =	vst v29  }
0x75: {  	v17 =	vld [tilespmem:$0x620];
	[tilespmem:$0x2B0] =	vst v31  }
0x76: {  	v19 =	vld [tilespmem:$0x630];
	[tilespmem:$0x300] =	vst v33  }
0x77: {  	v28 =	vadd.f32 v41, v40;
	[tilespmem:$0x310] =	vst v35;
	v21 =	vld [tilespmem:$0x680]  }
0x78: {  	[tilespmem:$0x320] =	vst v37;
	v23 =	vld [tilespmem:$0x690]  }
0x79: {  	[tilespmem:$0x380] =	vst v28;
	v25 =	vld [tilespmem:$0x6A0]  }
0x7a: {  	[tilespmem:$0x3A0] =	vst v30;
	v28 =	vld [tilespmem:$0xEB0]  }
0x7b: {  	[tilespmem:$0x400] =	vst v32;
	v30 =	vld [tilespmem:$0xF00]  }
0x7c: {  	[tilespmem:$0x420] =	vst v34;
	v32 =	vld [tilespmem:$0xF10]  }
0x7d: {  	v27 =	vadd.f32 v39, v38;
	[tilespmem:$0x480] =	vst v36;
	v39 =	vld [tilespmem:$0x1FFA0]  }
0x7e: {  	v34 =	vld [tilespmem:$0xF20];
	[tilespmem:$0x120] =	vst v0  }
0x7f: {  	v29 =	vadd.f32 v43, v42;
	v31 =	vadd.f32 v47, v46;
	v47 =	vld [tilespmem:$0x780];
	[tilespmem:$0x330] =	vst v27  }
0x80: {  	[tilespmem:$0x1FFB0] =	vst v62;
	v62 =	vld [tilespmem:$0xD00]  }
0x81: {  	v33 =	vadd.f32 v51, v50;
	v51 =	vld [tilespmem:$0x790];
	[tilespmem:$0x390] =	vst v29  }
0x82: {  	v35 =	vadd.f32 v55, v54;
	v55 =	vld [tilespmem:$0x7A0];
	[tilespmem:$0x3B0] =	vst v31  }
0x83: {  	v37 =	vadd.f32 v59, v58;
	v59 =	vld [tilespmem:$0x7B0];
	[tilespmem:$0x410] =	vst v33  }
0x84: {  	v38 =	vadd.f32 v61, v60;
	v61 =	vld [tilespmem:$0xFB0];
	[tilespmem:$0x430] =	vst v35  }
0x85: {  	[tilespmem:$0x1FFC0] =	vst v62;
	v62 =	vld [tilespmem:$0x510]  }
0x86: {  	v27 =	vld [tilespmem:$0x6B0];
	[tilespmem:$0x490] =	vst v37;
	v2 =	vadd.f32 v63, v39  }
0x87: {  	v29 =	vld [tilespmem:$0x700];
	[tilespmem:$0x4A0] =	vst v38;
	v46 =	vadd.f32 v4, v3  }
0x88: {  	v31 =	vld [tilespmem:$0x710];
	[tilespmem:$0x4B0] =	vst v2  }
0x89: {  	v33 =	vld [tilespmem:$0x720];
	v56 =	vadd.f32 v14, v13;
	[tilespmem:$0x530] =	vst v46  }
0x8a: {  	v58 =	vadd.f32 v16, v15;
	[tilespmem:$0x1FFD0] =	vst v62;
	v62 =	vld [tilespmem:$0xD10]  }
0x8b: {  	v35 =	vld [tilespmem:$0x730];
	v60 =	vadd.f32 v18, v17;
	[tilespmem:$0x600] =	vst v56  }
0x8c: {  	v37 =	vld [tilespmem:$0x820];
	v21 =	vadd.f32 v22, v21;
	[tilespmem:$0x610] =	vst v58  }
0x8d: {  	v40 =	vld [tilespmem:$0x1FFB0];
	[tilespmem:$0x620] =	vst v60  }
0x8e: {  	v23 =	vadd.f32 v24, v23;
	[tilespmem:$0x680] =	vst v21;
	v41 =	vld [tilespmem:$0x1FFC0]  }
0x8f: {  	v25 =	vadd.f32 v26, v25;
	[tilespmem:$0x1FFE0] =	vst v62;
	v62 =	vld [tilespmem:$0x520]  }
0x90: {  	[tilespmem:$0x690] =	vst v23;
	v36 =	vadd.f32 v28, v27;
	v42 =	vld [tilespmem:$0x1FFD0]  }
0x91: {  	[tilespmem:$0x6A0] =	vst v25;
	v38 =	vadd.f32 v30, v29;
	v43 =	vld [tilespmem:$0x1FFE0]  }
0x92: {  	v63 =	vld [tilespmem:$0x800];
	[tilespmem:$0x6B0] =	vst v36  }
0x93: {  	v22 =	vld [tilespmem:$0x1000];
	[tilespmem:$0x700] =	vst v38;
	v0 =	vadd.f32 v41, v40  }
0x94: {  	v40 =	vadd.f32 v32, v31;
	[tilespmem:$0x1FFF0] =	vst v62;
	v62 =	vadd.f32 v7, v6;
	v6 =	vld [tilespmem:$0xD80]  }
0x95: {  	[tilespmem:$0x500] =	vst v0;
	v7 =	vld [tilespmem:$0x590]  }
0x96: {  	[tilespmem:$0x710] =	vst v40;
	v2 =	vadd.f32 v43, v42;
	v44 =	vld [tilespmem:$0x1FFF0]  }
0x97: {  	v24 =	vld [tilespmem:$0x810];
	v42 =	vadd.f32 v34, v33;
	[tilespmem:$0x130] =	vst v62  }
0x98: {  	v26 =	vld [tilespmem:$0x1010];
	v62 =	vadd.f32 v11, v10;
	[tilespmem:$0x510] =	vst v2  }
0x99: {  	v39 =	vld [tilespmem:$0x1020];
	[tilespmem:$0x720] =	vst v42;
	v48 =	vadd.f32 v6, v5  }
0x9a: {  	v46 =	vld [tilespmem:$0x1080];
	[tilespmem:$0x190] =	vst v62;
	v50 =	vadd.f32 v8, v7  }
0x9b: {  	v56 =	vld [tilespmem:$0x8B0];
	v0 =	vadd.f32 v1, v44;
	[tilespmem:$0x580] =	vst v48  }
0x9c: {  	v58 =	vld [tilespmem:$0x10B0];
	v1 =	vadd.f32 v45, v35;
	[tilespmem:$0x590] =	vst v50  }
0x9d: {  	v41 =	vld [tilespmem:$0x830];
	v45 =	vadd.f32 v49, v47;
	[tilespmem:$0x520] =	vst v0  }
0x9e: {  	v10 =	vld [tilespmem:$0xDA0];
	v47 =	vadd.f32 v53, v51;
	[tilespmem:$0x730] =	vst v1  }
0x9f: {  	v11 =	vld [tilespmem:$0x5B0];
	v49 =	vadd.f32 v57, v55;
	[tilespmem:$0x780] =	vst v45  }
0xa0: {  	v43 =	vld [tilespmem:$0x1030];
	v51 =	vadd.f32 v61, v59;
	[tilespmem:$0x790] =	vst v47  }
0xa1: {  	v62 =	vld [tilespmem:$0xE30];
	v53 =	vadd.f32 v22, v63;
	[tilespmem:$0x7A0] =	vst v49  }
0xa2: {  	v44 =	vld [tilespmem:$0x880];
	v55 =	vadd.f32 v26, v24;
	[tilespmem:$0x7B0] =	vst v51  }
0xa3: {  	v52 =	vadd.f32 v10, v9;
	v48 =	vld [tilespmem:$0x890];
	[tilespmem:$0x800] =	vst v53  }
0xa4: {  	v54 =	vadd.f32 v12, v11;
	v50 =	vld [tilespmem:$0x1090];
	[tilespmem:$0x810] =	vst v55  }
0xa5: {  	v57 =	vadd.f32 v39, v37;
	[tilespmem:$0x5A0] =	vst v52;
	v52 =	vld [tilespmem:$0x8A0]  }
0xa6: {  	v59 =	vadd.f32 v43, v41;
	[tilespmem:$0x5B0] =	vst v54;
	v54 =	vld [tilespmem:$0x10A0]  }
0xa7: {  	v63 =	vadd.f32 v58, v56;
	[tilespmem:$0x820] =	vst v57  }
0xa8: {  	[tilespmem:$0x830] =	vst v59;
	v62 =	vadd.f32 v62, v19  }
0xa9: {  	[tilespmem:$0x8B0] =	vst v63;
	v60 =	vadd.f32 v46, v44  }
0xaa: {  	[tilespmem:$0x630] =	vst v62;
	v61 =	vadd.f32 v50, v48  }
0xab: {  	[tilespmem:$0x880] =	vst v60;
	v62 =	vadd.f32 v54, v52  }
0xac: {  	p0 =	sne.s32 s8, $0x1;
	[tilespmem:$0x890] =	vst v61  }
.Ltmp1:
0xad: {  	[tilespmem:$0x8A0] =	vst v62;
	(pc) =	sbr.rel @p0 .LBB2_2-.Ltmp1, $4  }
0xae: {  	[hbm4b:s6+s2] =	stream.linear.scatter [tilespmem:s12], [sflag:$0x2], $0x800, $0x38;
	[tilespmem:$0x1100] =	vst v63  }
0xaf: {  	_ =	swait.ge [sflag:s9], $0x800  }
0xb0: {  	[sflag:s9] =	ssyncset.done $0x0  }
0xb1: {  	s8 =	sadd.s32 $0xFFFFFFFF, s8;
	[sflag:s9] =	ssyncadd.s32 $0xFFFFF800  }
.LBB2_3:
0xb2: {  	_ =	sfence.sel $0x180000  }
0xb3: {  	[bflag:$0x0] =	sbarrier.arrive $0xFFFF  }
0xb4: {  	p0 =	sne.s32 s1, $0x0;
	_ =	strace $0x90000047  }
0xb5: {  	s0 =	sadd.s32 @!p0 $0x100000, s0;
	[bflag:$0x2] =	sbarrier.arrive $0xFFFF  }
0xb6: {  	[sflag:s0] =	ssyncadd.tile.s32 @!p0 $0x1;
	_ =	shalt  }
.Lfunc_end2:
_tile_overlayer_lowered:
.L_overlay_start_2:
0xb7: {  	(tag) =	ssettag $0x2  }
0xb8: {  	s0 =	rddreg [dreg:$0x0];
	s2 =	stileid.u32  }
0xb9: {  	s1 =	rddreg [dreg:$0x1];
	p0 =	sne.s32 s2, $0x0  }
0xba: {  	s3 =	rddreg [dreg:$0x2];
	[bflag:$0x3] =	sbarrier.arrive $0xFFFF;
	s2 =	simm.s32 @!p0 $0x1C02  }
0xbb: {  	[timem:s3], [sflag:s2] =	dma.local @!p0 [hbm:s0], s1  }
0xbc: {  	s0 =	simm.s32 @!p0 $0x2  }
0xbd: {  	_ =	swait.ge @!p0 [sflag:s0], s1  }
0xbe: {  	s1 =	ssub.s32 @!p0 $0x0, s1;
	[sflag:s0] =	ssyncset.done @!p0 $0x0  }
0xbf: {  	[sflag:s0] =	ssyncadd.s32 @!p0 s1  }
0xc0: {  	[bflag:$0x3] =	sbarrier.arrive $0xFFFF  }
0xc1: {  	_ =	shalt  }

</sc_bundles>
